<compile_context>
chip_gen: v7x
topology: tpu7x:2x2x1
jax: 0.10.2.dev20260603
libtpu: 0.0.44.dev20260713+nightly
codegen_flags: <defaults>
</compile_context>

<pallas_src>
import jax
import jax.numpy as jnp
from jax import lax
from jax.experimental import pallas as pl
from jax.experimental.pallas import tpu as pltpu
from jax.experimental.pallas import tpu_sc as plsc

N = 10000
E = 320000
D_IN = 128
D_E = 16
D_OUT = 128
D_EDGE = 256

NC = 2
NS = 16
NW = NC * NS
EPW = E // NW
CHUNK = 80
NCHUNK = EPW // CHUNK
RPT = 640
N_PAD = NS * RPT
ACC_W = 32


ZCH = RPT // CHUNK
EF_CH = 100
NEFCH = EPW // EF_CH


def _seg_body(efpad_hbm, dst_hbm, parts_hbm, idx_v, padA, zidx_v, acc_sh):
    c = lax.axis_index("c")
    s = lax.axis_index("s")
    wid = c * NS + s

    iota16 = lax.iota(jnp.int32, 16)
    base = s * RPT
    for k in range(ZCH):
        for b in range(CHUNK // 16):
            zidx_v[k, pl.ds(b * 16, 16)] = base + (k * CHUNK + b * 16) + iota16

    zeros16 = jnp.zeros((16,), jnp.float32)

    def zrow(r, carry):
        padA[r, pl.ds(0, 16)] = zeros16
        padA[r, pl.ds(16, 16)] = zeros16
        return carry

    lax.fori_loop(0, EF_CH, zrow, None)

    def zchunk(k, carry):
        pltpu.sync_copy(padA.at[pl.ds(0, CHUNK)], acc_sh.at[zidx_v.at[k]])
        return carry

    lax.fori_loop(0, ZCH, zchunk, None)
    plsc.subcore_barrier()

    pltpu.sync_copy(dst_hbm.at[wid], idx_v)

    def chunk(j, carry):
        pltpu.sync_copy(efpad_hbm.at[wid, j], padA)
        pltpu.sync_copy(padA, acc_sh.at[idx_v.at[j]], add=True)
        return carry

    lax.fori_loop(0, NEFCH, chunk, None)
    plsc.subcore_barrier()

    def wchunk(k, carry):
        pltpu.sync_copy(acc_sh.at[zidx_v.at[k]], padA.at[pl.ds(0, CHUNK)])
        pltpu.sync_copy(padA.at[pl.ds(0, CHUNK)], parts_hbm.at[c, s, k])
        return carry

    lax.fori_loop(0, ZCH, wchunk, None)


def _tc_body(nf_ref, parts_ref, waT_ref, ba_ref, weT_ref, be_ref,
             h_ref, hs_ref, hd_ref):
    p = parts_ref[0] + parts_ref[1]
    ssum = p[:, :D_E]
    cnt = jnp.maximum(p[:, D_E:D_E + 1], 1.0)
    hn = ssum / cnt

    nf = nf_ref[...]
    waT = waT_ref[...]
    hp = lax.Precision.HIGHEST
    z = (jnp.dot(nf, waT[:D_IN, :], precision=hp)
         + jnp.dot(hn, waT[D_IN:, :], precision=hp)
         + ba_ref[...])
    h = jnp.maximum(z, 0.0)
    h_ref[...] = h

    weT = weT_ref[...]
    hs_ref[...] = jnp.dot(h, weT[:D_OUT, :], precision=hp)
    hd_ref[...] = jnp.dot(h, weT[D_OUT:, :], precision=hp) + be_ref[...]


ECH = 40
NECH = EPW // ECH
EROWS = 2 * ECH


def _edge_body(hs_hbm, hd_hbm, src_hbm, dst_hbm, out_hbm,
               sidx_v, didx_v, bsA, bdA, bsB, bdB, sgA, sgB, swA, swB):
    c = lax.axis_index("c")
    s = lax.axis_index("s")
    wid = c * NS + s

    pltpu.sync_copy(src_hbm.at[wid], sidx_v)
    pltpu.sync_copy(dst_hbm.at[wid], didx_v)
    out_base = 2 * wid * EPW

    def gathers(j, bs, bd, sg):
        pltpu.async_copy(hs_hbm.at[sidx_v.at[j]], bs, sg)
        pltpu.async_copy(hd_hbm.at[didx_v.at[j]], bd, sg)

    def wait_gathers(bs, bd, sg):
        pltpu.make_async_copy(hs_hbm.at[pl.ds(0, EROWS)], bs, sg).wait()
        pltpu.make_async_copy(hs_hbm.at[pl.ds(0, EROWS)], bd, sg).wait()

    def wait_write(bs, sw):
        pltpu.make_async_copy(bs, out_hbm.at[pl.ds(0, EROWS)], sw).wait()

    def add(bs, bd):
        def addrow(r, inner):
            for k in range(128 // 16):
                sl = pl.ds(k * 16, 16)
                bs[r, sl] = bs[r, sl] + bd[r, sl]
            return inner

        lax.fori_loop(0, EROWS, addrow, None)

    T2 = NECH // 2
    gathers(0, bsA, bdA, sgA)

    def body(t, carry):
        j0 = 2 * t
        j1 = j0 + 1

        @pl.when(t > 0)
        def _():
            wait_write(bsB, swB)

        gathers(j1, bsB, bdB, sgB)
        wait_gathers(bsA, bdA, sgA)
        add(bsA, bdA)
        wA = pltpu.async_copy(
            bsA, out_hbm.at[pl.ds(out_base + j0 * EROWS, EROWS)], swA)
        wait_gathers(bsB, bdB, sgB)
        add(bsB, bdB)
        wA.wait()

        @pl.when(t < T2 - 1)
        def _():
            gathers(j0 + 2, bsA, bdA, sgA)

        pltpu.async_copy(
            bsB, out_hbm.at[pl.ds(out_base + j1 * EROWS, EROWS)], swB)
        return carry

    lax.fori_loop(0, T2, body, None)
    wait_write(bsB, swB)


def kernel(nfeats, efeats, edge_index, W_apply_w, W_apply_b, W_edge_w, W_edge_b):
    nf = nfeats.reshape(N, D_IN)
    ef_pad = jnp.concatenate(
        [efeats.reshape(E, D_E),
         jnp.ones((E, 1), jnp.float32),
         jnp.zeros((E, ACC_W - D_E - 1), jnp.float32)],
        axis=1).reshape(NW, NEFCH, EF_CH, ACC_W)
    dst3 = edge_index[1].reshape(NW, NEFCH, EF_CH)
    waT = W_apply_w.T
    weT = W_edge_w.T
    ba = W_apply_b.reshape(1, D_OUT)
    be = W_edge_b.reshape(1, D_EDGE)

    mesh = plsc.VectorSubcoreMesh(core_axis_name="c", subcore_axis_name="s")

    seg = pl.kernel(
        _seg_body,
        out_type=jax.ShapeDtypeStruct((NC, NS, ZCH, CHUNK, ACC_W), jnp.float32),
        mesh=mesh,
        scratch_types=[
            pltpu.VMEM((NEFCH, EF_CH), jnp.int32),
            pltpu.VMEM((EF_CH, ACC_W), jnp.float32),
            pltpu.VMEM((ZCH, CHUNK), jnp.int32),
            pltpu.VMEM_SHARED((N_PAD, ACC_W), jnp.float32),
        ],
    )
    parts = seg(ef_pad, dst3).reshape(NC, N_PAD, ACC_W)[:, :N]

    BLK = 2000
    grid = (N // BLK,)
    h, hs, hd = pl.pallas_call(
        _tc_body,
        grid=grid,
        in_specs=[
            pl.BlockSpec((BLK, D_IN), lambda i: (i, 0)),
            pl.BlockSpec((NC, BLK, ACC_W), lambda i: (0, i, 0)),
            pl.BlockSpec((D_IN + D_E, D_OUT), lambda i: (0, 0)),
            pl.BlockSpec((1, D_OUT), lambda i: (0, 0)),
            pl.BlockSpec((D_EDGE, D_EDGE), lambda i: (0, 0)),
            pl.BlockSpec((1, D_EDGE), lambda i: (0, 0)),
        ],
        out_specs=[
            pl.BlockSpec((BLK, D_OUT), lambda i: (i, 0)),
            pl.BlockSpec((BLK, D_EDGE), lambda i: (i, 0)),
            pl.BlockSpec((BLK, D_EDGE), lambda i: (i, 0)),
        ],
        out_shape=[
            jax.ShapeDtypeStruct((N, D_OUT), jnp.float32),
            jax.ShapeDtypeStruct((N, D_EDGE), jnp.float32),
            jax.ShapeDtypeStruct((N, D_EDGE), jnp.float32),
        ],
    )(nf, parts, waT, ba, weT, be)

    hs2 = hs.reshape(2 * N, 128)
    hd2 = hd.reshape(2 * N, 128)
    two = jnp.arange(2, dtype=jnp.int32)
    srcx = (2 * edge_index[0][:, None] + two).reshape(NW, NECH, EROWS)
    dstx = (2 * edge_index[1][:, None] + two).reshape(NW, NECH, EROWS)

    edge = pl.kernel(
        _edge_body,
        out_type=jax.ShapeDtypeStruct((2 * E, 128), jnp.float32),
        mesh=mesh,
        scratch_types=[
            pltpu.VMEM((NECH, EROWS), jnp.int32),
            pltpu.VMEM((NECH, EROWS), jnp.int32),
            pltpu.VMEM((EROWS, 128), jnp.float32),
            pltpu.VMEM((EROWS, 128), jnp.float32),
            pltpu.VMEM((EROWS, 128), jnp.float32),
            pltpu.VMEM((EROWS, 128), jnp.float32),
            pltpu.SemaphoreType.DMA,
            pltpu.SemaphoreType.DMA,
            pltpu.SemaphoreType.DMA,
            pltpu.SemaphoreType.DMA,
        ],
    )(hs2, hd2, srcx, dstx)

    return h.reshape(N, 1, D_OUT), edge.reshape(E, 1, D_EDGE)

# --- scband reference (transcript-rebuilt; emitter-appended) ---
"""Pipeline reference for scband-sagelayer-34720515621370 (READ-ONLY COPY).

The authoritative reference and input builder live on the scoring server;
editing this copy changes nothing except your own understanding.
"""

import jax, jax.numpy as jnp
import numpy as np

N = 10000
E = 320000
NDIM_IN = 128
EDIMS = 16
NDIM_OUT = 128


def _xavier_uniform(key, shape, gain):
    fan_out, fan_in = shape
    bound = gain * np.sqrt(6.0 / (fan_in + fan_out))
    return jax.random.uniform(key, shape, minval=-bound, maxval=bound, dtype=jnp.float32)


def setup_inputs(seed: int = 0) -> dict:
    key = jax.random.key(seed)
    k1, k2, k3, k4, k5, k6, k7 = jax.random.split(key, 7)
    gain = float(np.sqrt(2.0))  # calculate_gain('relu')
    nfeats = jax.random.normal(k1, (N, 1, NDIM_IN), dtype=jnp.float32)
    efeats = jax.random.normal(k2, (E, 1, EDIMS), dtype=jnp.float32)
    edge_index = jax.random.randint(k3, (2, E), 0, N, dtype=jnp.int32)
    W_apply_w = _xavier_uniform(k4, (NDIM_OUT, NDIM_IN + EDIMS), gain)
    b1 = 1.0 / np.sqrt(NDIM_IN + EDIMS)
    W_apply_b = jax.random.uniform(k5, (NDIM_OUT,), minval=-b1, maxval=b1, dtype=jnp.float32)
    b2 = 1.0 / np.sqrt(256)
    W_edge_w = jax.random.uniform(k6, (256, 256), minval=-b2, maxval=b2, dtype=jnp.float32)
    W_edge_b = jax.random.uniform(k7, (256,), minval=-b2, maxval=b2, dtype=jnp.float32)
    return {"nfeats": nfeats, "efeats": efeats, "edge_index": edge_index,
            "W_apply_w": W_apply_w, "W_apply_b": W_apply_b,
            "W_edge_w": W_edge_w, "W_edge_b": W_edge_b}


def reference(nfeats, efeats, edge_index, W_apply_w, W_apply_b, W_edge_w, W_edge_b):
    # DGL update_all(copy edge feature 'h' as message, fn.mean -> 'h_neigh')
    src = edge_index[0]
    dst = edge_index[1]
    n = nfeats.shape[0]
    summed = jax.ops.segment_sum(efeats, dst, num_segments=n)            # [N,1,EDIMS]
    cnt = jax.ops.segment_sum(jnp.ones((efeats.shape[0],), dtype=efeats.dtype), dst, num_segments=n)
    h_neigh = summed / jnp.maximum(cnt, 1.0)[:, None, None]              # zero for isolated dst nodes
    # h = relu(W_apply(cat([h, h_neigh], dim=2)))
    h_cat = jnp.concatenate([nfeats, h_neigh], axis=2)                   # [N,1,NDIM_IN+EDIMS]
    h = jax.nn.relu(jnp.einsum('nij,oj->nio', h_cat, W_apply_w) + W_apply_b)  # [N,1,NDIM_OUT]
    # edge = W_edge(cat((h[u], h[v]), dim=2))
    e_cat = jnp.concatenate([h[src], h[dst]], axis=2)                    # [E,1,256]
    edge = jnp.einsum('eij,oj->eio', e_cat, W_edge_w) + W_edge_b         # [E,1,256]
    return (h, edge)

if __name__ == "__main__":
    import jax
    _d = setup_inputs()
    print(jax.jit(kernel)(*tuple(_d.values())))

</pallas_src>

<mosaic_0001>
#map = affine_map<(d0, d1) -> (0, 0, 0, 0)>
#map1 = affine_map<(d0, d1) -> (0, 0, 0)>
#map2 = affine_map<(d0, d1) -> (0, 0, 0, 0, 0)>
module attributes {stable_mosaic.version = 14 : i64} {
  func.func @_seg_body(%arg0: i32, %arg1: i32, %arg2: memref<32x100x100x32xf32, #tpu.memory_space<hbm>>, %arg3: memref<32x100x100xi32, #tpu.memory_space<hbm>>, %arg4: memref<2x16x8x80x32xf32, #tpu.memory_space<hbm>>, %arg5: memref<100x100xi32, #tpu.memory_space<vmem>>, %arg6: memref<100x32xf32, #tpu.memory_space<vmem>>, %arg7: memref<8x80xi32, #tpu.memory_space<vmem>>, %arg8: memref<10240x32xf32, #tpu.memory_space<vmem_shared>>) attributes {dimension_semantics = [#tpu.dimension_semantics<core_parallel>, #tpu.dimension_semantics<subcore_parallel>], iteration_bounds = array<i64: 2, 16>, scalar_prefetch = 0 : i64, scratch_operands = 4 : i64, tpu.core_type = #tpu.core_type<sc_vector_subcore>, window_params = [{transform_indices = #map}, {transform_indices = #map1}, {transform_indices = #map2}]} {
    %mul3A = arith.constant 16 : i32
    %mul3A_0 = arith.muli %arg0, %mul3A : i32
    %add3A = arith.addi %mul3A_0, %arg1 : i32
    %iota3A = tpu.iota {dimensions = array<i32: 0>} : vector<16xi32>
    %mul3A_1 = arith.constant 640 : i32
    %mul3A_2 = arith.muli %arg1, %mul3A_1 : i32
    %add3A_3 = arith.constant 0 : i32
    %add3A_4 = arith.addi %mul3A_2, %add3A_3 : i32
    %add3A_5 = vector.broadcast %add3A_4 : i32 to vector<16xi32>
    %add3A_6 = arith.addi %add3A_5, %iota3A : vector<16xi32>
    %swap3A = arith.constant 0 : i32
    %swap3A_7 = arith.index_cast %swap3A : i32 to index
    %swap3A_8 = arith.constant 0 : index
    %swap3A_9 = tpu.vector_load %arg7[%swap3A_7, %swap3A_8] {strides = array<i32>} : memref<8x80xi32, #tpu.memory_space<vmem>>, vector<1x16xi32>,
    %swap3A_10 = vector.shape_cast %swap3A_9 : vector<1x16xi32> to vector<16xi32>
    %swap3A_11 = vector.shape_cast %add3A_6 : vector<16xi32> to vector<1x16xi32>
    tpu.vector_store %arg7[%swap3A_7, %swap3A_8], %swap3A_11 {strides = array<i32>} : memref<8x80xi32, #tpu.memory_space<vmem>>, vector<1x16xi32>,
    %add3A_12 = arith.constant 16 : i32
    %add3A_13 = arith.addi %mul3A_2, %add3A_12 : i32
    %add3A_14 = vector.broadcast %add3A_13 : i32 to vector<16xi32>
    %add3A_15 = arith.addi %add3A_14, %iota3A : vector<16xi32>
    %swap3A_16 = arith.constant 0 : i32
    %swap3A_17 = arith.index_cast %swap3A_16 : i32 to index
    %swap3A_18 = arith.constant 16 : index
    %swap3A_19 = tpu.vector_load %arg7[%swap3A_17, %swap3A_18] {strides = array<i32>} : memref<8x80xi32, #tpu.memory_space<vmem>>, vector<1x16xi32>,
    %swap3A_20 = vector.shape_cast %swap3A_19 : vector<1x16xi32> to vector<16xi32>
    %swap3A_21 = vector.shape_cast %add3A_15 : vector<16xi32> to vector<1x16xi32>
    tpu.vector_store %arg7[%swap3A_17, %swap3A_18], %swap3A_21 {strides = array<i32>} : memref<8x80xi32, #tpu.memory_space<vmem>>, vector<1x16xi32>,
    %add3A_22 = arith.constant 32 : i32
    %add3A_23 = arith.addi %mul3A_2, %add3A_22 : i32
    %add3A_24 = vector.broadcast %add3A_23 : i32 to vector<16xi32>
    %add3A_25 = arith.addi %add3A_24, %iota3A : vector<16xi32>
    %swap3A_26 = arith.constant 0 : i32
    %swap3A_27 = arith.index_cast %swap3A_26 : i32 to index
    %swap3A_28 = arith.constant 32 : index
    %swap3A_29 = tpu.vector_load %arg7[%swap3A_27, %swap3A_28] {strides = array<i32>} : memref<8x80xi32, #tpu.memory_space<vmem>>, vector<1x16xi32>,
    %swap3A_30 = vector.shape_cast %swap3A_29 : vector<1x16xi32> to vector<16xi32>
    %swap3A_31 = vector.shape_cast %add3A_25 : vector<16xi32> to vector<1x16xi32>
    tpu.vector_store %arg7[%swap3A_27, %swap3A_28], %swap3A_31 {strides = array<i32>} : memref<8x80xi32, #tpu.memory_space<vmem>>, vector<1x16xi32>,
    %add3A_32 = arith.constant 48 : i32
    %add3A_33 = arith.addi %mul3A_2, %add3A_32 : i32
    %add3A_34 = vector.broadcast %add3A_33 : i32 to vector<16xi32>
    %add3A_35 = arith.addi %add3A_34, %iota3A : vector<16xi32>
    %swap3A_36 = arith.constant 0 : i32
    %swap3A_37 = arith.index_cast %swap3A_36 : i32 to index
    %swap3A_38 = arith.constant 48 : index
    %swap3A_39 = tpu.vector_load %arg7[%swap3A_37, %swap3A_38] {strides = array<i32>} : memref<8x80xi32, #tpu.memory_space<vmem>>, vector<1x16xi32>,
    %swap3A_40 = vector.shape_cast %swap3A_39 : vector<1x16xi32> to vector<16xi32>
    %swap3A_41 = vector.shape_cast %add3A_35 : vector<16xi32> to vector<1x16xi32>
    tpu.vector_store %arg7[%swap3A_37, %swap3A_38], %swap3A_41 {strides = array<i32>} : memref<8x80xi32, #tpu.memory_space<vmem>>, vector<1x16xi32>,
    %add3A_42 = arith.constant 64 : i32
    %add3A_43 = arith.addi %mul3A_2, %add3A_42 : i32
    %add3A_44 = vector.broadcast %add3A_43 : i32 to vector<16xi32>
    %add3A_45 = arith.addi %add3A_44, %iota3A : vector<16xi32>
    %swap3A_46 = arith.constant 0 : i32
    %swap3A_47 = arith.index_cast %swap3A_46 : i32 to index
    %swap3A_48 = arith.constant 64 : index
    %swap3A_49 = tpu.vector_load %arg7[%swap3A_47, %swap3A_48] {strides = array<i32>} : memref<8x80xi32, #tpu.memory_space<vmem>>, vector<1x16xi32>,
    %swap3A_50 = vector.shape_cast %swap3A_49 : vector<1x16xi32> to vector<16xi32>
    %swap3A_51 = vector.shape_cast %add3A_45 : vector<16xi32> to vector<1x16xi32>
    tpu.vector_store %arg7[%swap3A_47, %swap3A_48], %swap3A_51 {strides = array<i32>} : memref<8x80xi32, #tpu.memory_space<vmem>>, vector<1x16xi32>,
    %add3A_52 = arith.constant 80 : i32
    %add3A_53 = arith.addi %mul3A_2, %add3A_52 : i32
    %add3A_54 = vector.broadcast %add3A_53 : i32 to vector<16xi32>
    %add3A_55 = arith.addi %add3A_54, %iota3A : vector<16xi32>
    %swap3A_56 = arith.constant 1 : i32
    %swap3A_57 = arith.index_cast %swap3A_56 : i32 to index
    %swap3A_58 = arith.constant 0 : index
    %swap3A_59 = tpu.vector_load %arg7[%swap3A_57, %swap3A_58] {strides = array<i32>} : memref<8x80xi32, #tpu.memory_space<vmem>>, vector<1x16xi32>,
    %swap3A_60 = vector.shape_cast %swap3A_59 : vector<1x16xi32> to vector<16xi32>
    %swap3A_61 = vector.shape_cast %add3A_55 : vector<16xi32> to vector<1x16xi32>
    tpu.vector_store %arg7[%swap3A_57, %swap3A_58], %swap3A_61 {strides = array<i32>} : memref<8x80xi32, #tpu.memory_space<vmem>>, vector<1x16xi32>,
    %add3A_62 = arith.constant 96 : i32
    %add3A_63 = arith.addi %mul3A_2, %add3A_62 : i32
    %add3A_64 = vector.broadcast %add3A_63 : i32 to vector<16xi32>
    %add3A_65 = arith.addi %add3A_64, %iota3A : vector<16xi32>
    %swap3A_66 = arith.constant 1 : i32
    %swap3A_67 = arith.index_cast %swap3A_66 : i32 to index
    %swap3A_68 = arith.constant 16 : index
    %swap3A_69 = tpu.vector_load %arg7[%swap3A_67, %swap3A_68] {strides = array<i32>} : memref<8x80xi32, #tpu.memory_space<vmem>>, vector<1x16xi32>,
    %swap3A_70 = vector.shape_cast %swap3A_69 : vector<1x16xi32> to vector<16xi32>
    %swap3A_71 = vector.shape_cast %add3A_65 : vector<16xi32> to vector<1x16xi32>
    tpu.vector_store %arg7[%swap3A_67, %swap3A_68], %swap3A_71 {strides = array<i32>} : memref<8x80xi32, #tpu.memory_space<vmem>>, vector<1x16xi32>,
    %add3A_72 = arith.constant 112 : i32
    %add3A_73 = arith.addi %mul3A_2, %add3A_72 : i32
    %add3A_74 = vector.broadcast %add3A_73 : i32 to vector<16xi32>
    %add3A_75 = arith.addi %add3A_74, %iota3A : vector<16xi32>
    %swap3A_76 = arith.constant 1 : i32
    %swap3A_77 = arith.index_cast %swap3A_76 : i32 to index
    %swap3A_78 = arith.constant 32 : index
    %swap3A_79 = tpu.vector_load %arg7[%swap3A_77, %swap3A_78] {strides = array<i32>} : memref<8x80xi32, #tpu.memory_space<vmem>>, vector<1x16xi32>,
    %swap3A_80 = vector.shape_cast %swap3A_79 : vector<1x16xi32> to vector<16xi32>
    %swap3A_81 = vector.shape_cast %add3A_75 : vector<16xi32> to vector<1x16xi32>
    tpu.vector_store %arg7[%swap3A_77, %swap3A_78], %swap3A_81 {strides = array<i32>} : memref<8x80xi32, #tpu.memory_space<vmem>>, vector<1x16xi32>,
    %add3A_82 = arith.constant 128 : i32
    %add3A_83 = arith.addi %mul3A_2, %add3A_82 : i32
    %add3A_84 = vector.broadcast %add3A_83 : i32 to vector<16xi32>
    %add3A_85 = arith.addi %add3A_84, %iota3A : vector<16xi32>
    %swap3A_86 = arith.constant 1 : i32
    %swap3A_87 = arith.index_cast %swap3A_86 : i32 to index
    %swap3A_88 = arith.constant 48 : index
    %swap3A_89 = tpu.vector_load %arg7[%swap3A_87, %swap3A_88] {strides = array<i32>} : memref<8x80xi32, #tpu.memory_space<vmem>>, vector<1x16xi32>,
    %swap3A_90 = vector.shape_cast %swap3A_89 : vector<1x16xi32> to vector<16xi32>
    %swap3A_91 = vector.shape_cast %add3A_85 : vector<16xi32> to vector<1x16xi32>
    tpu.vector_store %arg7[%swap3A_87, %swap3A_88], %swap3A_91 {strides = array<i32>} : memref<8x80xi32, #tpu.memory_space<vmem>>, vector<1x16xi32>,
    %add3A_92 = arith.constant 144 : i32
    %add3A_93 = arith.addi %mul3A_2, %add3A_92 : i32
    %add3A_94 = vector.broadcast %add3A_93 : i32 to vector<16xi32>
    %add3A_95 = arith.addi %add3A_94, %iota3A : vector<16xi32>
    %swap3A_96 = arith.constant 1 : i32
    %swap3A_97 = arith.index_cast %swap3A_96 : i32 to index
    %swap3A_98 = arith.constant 64 : index
    %swap3A_99 = tpu.vector_load %arg7[%swap3A_97, %swap3A_98] {strides = array<i32>} : memref<8x80xi32, #tpu.memory_space<vmem>>, vector<1x16xi32>,
    %swap3A_100 = vector.shape_cast %swap3A_99 : vector<1x16xi32> to vector<16xi32>
    %swap3A_101 = vector.shape_cast %add3A_95 : vector<16xi32> to vector<1x16xi32>
    tpu.vector_store %arg7[%swap3A_97, %swap3A_98], %swap3A_101 {strides = array<i32>} : memref<8x80xi32, #tpu.memory_space<vmem>>, vector<1x16xi32>,
    %add3A_102 = arith.constant 160 : i32
    %add3A_103 = arith.addi %mul3A_2, %add3A_102 : i32
    %add3A_104 = vector.broadcast %add3A_103 : i32 to vector<16xi32>
    %add3A_105 = arith.addi %add3A_104, %iota3A : vector<16xi32>
    %swap3A_106 = arith.constant 2 : i32
    %swap3A_107 = arith.index_cast %swap3A_106 : i32 to index
    %swap3A_108 = arith.constant 0 : index
    %swap3A_109 = tpu.vector_load %arg7[%swap3A_107, %swap3A_108] {strides = array<i32>} : memref<8x80xi32, #tpu.memory_space<vmem>>, vector<1x16xi32>,
    %swap3A_110 = vector.shape_cast %swap3A_109 : vector<1x16xi32> to vector<16xi32>
    %swap3A_111 = vector.shape_cast %add3A_105 : vector<16xi32> to vector<1x16xi32>
    tpu.vector_store %arg7[%swap3A_107, %swap3A_108], %swap3A_111 {strides = array<i32>} : memref<8x80xi32, #tpu.memory_space<vmem>>, vector<1x16xi32>,
    %add3A_112 = arith.constant 176 : i32
    %add3A_113 = arith.addi %mul3A_2, %add3A_112 : i32
    %add3A_114 = vector.broadcast %add3A_113 : i32 to vector<16xi32>
    %add3A_115 = arith.addi %add3A_114, %iota3A : vector<16xi32>
    %swap3A_116 = arith.constant 2 : i32
    %swap3A_117 = arith.index_cast %swap3A_116 : i32 to index
    %swap3A_118 = arith.constant 16 : index
    %swap3A_119 = tpu.vector_load %arg7[%swap3A_117, %swap3A_118] {strides = array<i32>} : memref<8x80xi32, #tpu.memory_space<vmem>>, vector<1x16xi32>,
    %swap3A_120 = vector.shape_cast %swap3A_119 : vector<1x16xi32> to vector<16xi32>
    %swap3A_121 = vector.shape_cast %add3A_115 : vector<16xi32> to vector<1x16xi32>
    tpu.vector_store %arg7[%swap3A_117, %swap3A_118], %swap3A_121 {strides = array<i32>} : memref<8x80xi32, #tpu.memory_space<vmem>>, vector<1x16xi32>,
    %add3A_122 = arith.constant 192 : i32
    %add3A_123 = arith.addi %mul3A_2, %add3A_122 : i32
    %add3A_124 = vector.broadcast %add3A_123 : i32 to vector<16xi32>
    %add3A_125 = arith.addi %add3A_124, %iota3A : vector<16xi32>
    %swap3A_126 = arith.constant 2 : i32
    %swap3A_127 = arith.index_cast %swap3A_126 : i32 to index
    %swap3A_128 = arith.constant 32 : index
    %swap3A_129 = tpu.vector_load %arg7[%swap3A_127, %swap3A_128] {strides = array<i32>} : memref<8x80xi32, #tpu.memory_space<vmem>>, vector<1x16xi32>,
    %swap3A_130 = vector.shape_cast %swap3A_129 : vector<1x16xi32> to vector<16xi32>
    %swap3A_131 = vector.shape_cast %add3A_125 : vector<16xi32> to vector<1x16xi32>
    tpu.vector_store %arg7[%swap3A_127, %swap3A_128], %swap3A_131 {strides = array<i32>} : memref<8x80xi32, #tpu.memory_space<vmem>>, vector<1x16xi32>,
    %add3A_132 = arith.constant 208 : i32
    %add3A_133 = arith.addi %mul3A_2, %add3A_132 : i32
    %add3A_134 = vector.broadcast %add3A_133 : i32 to vector<16xi32>
    %add3A_135 = arith.addi %add3A_134, %iota3A : vector<16xi32>
    %swap3A_136 = arith.constant 2 : i32
    %swap3A_137 = arith.index_cast %swap3A_136 : i32 to index
    %swap3A_138 = arith.constant 48 : index
    %swap3A_139 = tpu.vector_load %arg7[%swap3A_137, %swap3A_138] {strides = array<i32>} : memref<8x80xi32, #tpu.memory_space<vmem>>, vector<1x16xi32>,
    %swap3A_140 = vector.shape_cast %swap3A_139 : vector<1x16xi32> to vector<16xi32>
    %swap3A_141 = vector.shape_cast %add3A_135 : vector<16xi32> to vector<1x16xi32>
    tpu.vector_store %arg7[%swap3A_137, %swap3A_138], %swap3A_141 {strides = array<i32>} : memref<8x80xi32, #tpu.memory_space<vmem>>, vector<1x16xi32>,
    %add3A_142 = arith.constant 224 : i32
    %add3A_143 = arith.addi %mul3A_2, %add3A_142 : i32
    %add3A_144 = vector.broadcast %add3A_143 : i32 to vector<16xi32>
    %add3A_145 = arith.addi %add3A_144, %iota3A : vector<16xi32>
    %swap3A_146 = arith.constant 2 : i32
    %swap3A_147 = arith.index_cast %swap3A_146 : i32 to index
    %swap3A_148 = arith.constant 64 : index
    %swap3A_149 = tpu.vector_load %arg7[%swap3A_147, %swap3A_148] {strides = array<i32>} : memref<8x80xi32, #tpu.memory_space<vmem>>, vector<1x16xi32>,
    %swap3A_150 = vector.shape_cast %swap3A_149 : vector<1x16xi32> to vector<16xi32>
    %swap3A_151 = vector.shape_cast %add3A_145 : vector<16xi32> to vector<1x16xi32>
    tpu.vector_store %arg7[%swap3A_147, %swap3A_148], %swap3A_151 {strides = array<i32>} : memref<8x80xi32, #tpu.memory_space<vmem>>, vector<1x16xi32>,
    %add3A_152 = arith.constant 240 : i32
    %add3A_153 = arith.addi %mul3A_2, %add3A_152 : i32
    %add3A_154 = vector.broadcast %add3A_153 : i32 to vector<16xi32>
    %add3A_155 = arith.addi %add3A_154, %iota3A : vector<16xi32>
    %swap3A_156 = arith.constant 3 : i32
    %swap3A_157 = arith.index_cast %swap3A_156 : i32 to index
    %swap3A_158 = arith.constant 0 : index
    %swap3A_159 = tpu.vector_load %arg7[%swap3A_157, %swap3A_158] {strides = array<i32>} : memref<8x80xi32, #tpu.memory_space<vmem>>, vector<1x16xi32>,
    %swap3A_160 = vector.shape_cast %swap3A_159 : vector<1x16xi32> to vector<16xi32>
    %swap3A_161 = vector.shape_cast %add3A_155 : vector<16xi32> to vector<1x16xi32>
    tpu.vector_store %arg7[%swap3A_157, %swap3A_158], %swap3A_161 {strides = array<i32>} : memref<8x80xi32, #tpu.memory_space<vmem>>, vector<1x16xi32>,
    %add3A_162 = arith.constant 256 : i32
    %add3A_163 = arith.addi %mul3A_2, %add3A_162 : i32
    %add3A_164 = vector.broadcast %add3A_163 : i32 to vector<16xi32>
    %add3A_165 = arith.addi %add3A_164, %iota3A : vector<16xi32>
    %swap3A_166 = arith.constant 3 : i32
    %swap3A_167 = arith.index_cast %swap3A_166 : i32 to index
    %swap3A_168 = arith.constant 16 : index
    %swap3A_169 = tpu.vector_load %arg7[%swap3A_167, %swap3A_168] {strides = array<i32>} : memref<8x80xi32, #tpu.memory_space<vmem>>, vector<1x16xi32>,
    %swap3A_170 = vector.shape_cast %swap3A_169 : vector<1x16xi32> to vector<16xi32>
    %swap3A_171 = vector.shape_cast %add3A_165 : vector<16xi32> to vector<1x16xi32>
    tpu.vector_store %arg7[%swap3A_167, %swap3A_168], %swap3A_171 {strides = array<i32>} : memref<8x80xi32, #tpu.memory_space<vmem>>, vector<1x16xi32>,
    %add3A_172 = arith.constant 272 : i32
    %add3A_173 = arith.addi %mul3A_2, %add3A_172 : i32
    %add3A_174 = vector.broadcast %add3A_173 : i32 to vector<16xi32>
    %add3A_175 = arith.addi %add3A_174, %iota3A : vector<16xi32>
    %swap3A_176 = arith.constant 3 : i32
    %swap3A_177 = arith.index_cast %swap3A_176 : i32 to index
    %swap3A_178 = arith.constant 32 : index
    %swap3A_179 = tpu.vector_load %arg7[%swap3A_177, %swap3A_178] {strides = array<i32>} : memref<8x80xi32, #tpu.memory_space<vmem>>, vector<1x16xi32>,
    %swap3A_180 = vector.shape_cast %swap3A_179 : vector<1x16xi32> to vector<16xi32>
    %swap3A_181 = vector.shape_cast %add3A_175 : vector<16xi32> to vector<1x16xi32>
    tpu.vector_store %arg7[%swap3A_177, %swap3A_178], %swap3A_181 {strides = array<i32>} : memref<8x80xi32, #tpu.memory_space<vmem>>, vector<1x16xi32>,
    %add3A_182 = arith.constant 288 : i32
    %add3A_183 = arith.addi %mul3A_2, %add3A_182 : i32
    %add3A_184 = vector.broadcast %add3A_183 : i32 to vector<16xi32>
    %add3A_185 = arith.addi %add3A_184, %iota3A : vector<16xi32>
    %swap3A_186 = arith.constant 3 : i32
    %swap3A_187 = arith.index_cast %swap3A_186 : i32 to index
    %swap3A_188 = arith.constant 48 : index
    %swap3A_189 = tpu.vector_load %arg7[%swap3A_187, %swap3A_188] {strides = array<i32>} : memref<8x80xi32, #tpu.memory_space<vmem>>, vector<1x16xi32>,
    %swap3A_190 = vector.shape_cast %swap3A_189 : vector<1x16xi32> to vector<16xi32>
    %swap3A_191 = vector.shape_cast %add3A_185 : vector<16xi32> to vector<1x16xi32>
    tpu.vector_store %arg7[%swap3A_187, %swap3A_188], %swap3A_191 {strides = array<i32>} : memref<8x80xi32, #tpu.memory_space<vmem>>, vector<1x16xi32>,
    %add3A_192 = arith.constant 304 : i32
    %add3A_193 = arith.addi %mul3A_2, %add3A_192 : i32
    %add3A_194 = vector.broadcast %add3A_193 : i32 to vector<16xi32>
    %add3A_195 = arith.addi %add3A_194, %iota3A : vector<16xi32>
    %swap3A_196 = arith.constant 3 : i32
    %swap3A_197 = arith.index_cast %swap3A_196 : i32 to index
    %swap3A_198 = arith.constant 64 : index
    %swap3A_199 = tpu.vector_load %arg7[%swap3A_197, %swap3A_198] {strides = array<i32>} : memref<8x80xi32, #tpu.memory_space<vmem>>, vector<1x16xi32>,
    %swap3A_200 = vector.shape_cast %swap3A_199 : vector<1x16xi32> to vector<16xi32>
    %swap3A_201 = vector.shape_cast %add3A_195 : vector<16xi32> to vector<1x16xi32>
    tpu.vector_store %arg7[%swap3A_197, %swap3A_198], %swap3A_201 {strides = array<i32>} : memref<8x80xi32, #tpu.memory_space<vmem>>, vector<1x16xi32>,
    %add3A_202 = arith.constant 320 : i32
    %add3A_203 = arith.addi %mul3A_2, %add3A_202 : i32
    %add3A_204 = vector.broadcast %add3A_203 : i32 to vector<16xi32>
    %add3A_205 = arith.addi %add3A_204, %iota3A : vector<16xi32>
    %swap3A_206 = arith.constant 4 : i32
    %swap3A_207 = arith.index_cast %swap3A_206 : i32 to index
    %swap3A_208 = arith.constant 0 : index
    %swap3A_209 = tpu.vector_load %arg7[%swap3A_207, %swap3A_208] {strides = array<i32>} : memref<8x80xi32, #tpu.memory_space<vmem>>, vector<1x16xi32>,
    %swap3A_210 = vector.shape_cast %swap3A_209 : vector<1x16xi32> to vector<16xi32>
    %swap3A_211 = vector.shape_cast %add3A_205 : vector<16xi32> to vector<1x16xi32>
    tpu.vector_store %arg7[%swap3A_207, %swap3A_208], %swap3A_211 {strides = array<i32>} : memref<8x80xi32, #tpu.memory_space<vmem>>, vector<1x16xi32>,
    %add3A_212 = arith.constant 336 : i32
    %add3A_213 = arith.addi %mul3A_2, %add3A_212 : i32
    %add3A_214 = vector.broadcast %add3A_213 : i32 to vector<16xi32>
    %add3A_215 = arith.addi %add3A_214, %iota3A : vector<16xi32>
    %swap3A_216 = arith.constant 4 : i32
    %swap3A_217 = arith.index_cast %swap3A_216 : i32 to index
    %swap3A_218 = arith.constant 16 : index
    %swap3A_219 = tpu.vector_load %arg7[%swap3A_217, %swap3A_218] {strides = array<i32>} : memref<8x80xi32, #tpu.memory_space<vmem>>, vector<1x16xi32>,
    %swap3A_220 = vector.shape_cast %swap3A_219 : vector<1x16xi32> to vector<16xi32>
    %swap3A_221 = vector.shape_cast %add3A_215 : vector<16xi32> to vector<1x16xi32>
    tpu.vector_store %arg7[%swap3A_217, %swap3A_218], %swap3A_221 {strides = array<i32>} : memref<8x80xi32, #tpu.memory_space<vmem>>, vector<1x16xi32>,
    %add3A_222 = arith.constant 352 : i32
    %add3A_223 = arith.addi %mul3A_2, %add3A_222 : i32
    %add3A_224 = vector.broadcast %add3A_223 : i32 to vector<16xi32>
    %add3A_225 = arith.addi %add3A_224, %iota3A : vector<16xi32>
    %swap3A_226 = arith.constant 4 : i32
    %swap3A_227 = arith.index_cast %swap3A_226 : i32 to index
    %swap3A_228 = arith.constant 32 : index
    %swap3A_229 = tpu.vector_load %arg7[%swap3A_227, %swap3A_228] {strides = array<i32>} : memref<8x80xi32, #tpu.memory_space<vmem>>, vector<1x16xi32>,
    %swap3A_230 = vector.shape_cast %swap3A_229 : vector<1x16xi32> to vector<16xi32>
    %swap3A_231 = vector.shape_cast %add3A_225 : vector<16xi32> to vector<1x16xi32>
    tpu.vector_store %arg7[%swap3A_227, %swap3A_228], %swap3A_231 {strides = array<i32>} : memref<8x80xi32, #tpu.memory_space<vmem>>, vector<1x16xi32>,
    %add3A_232 = arith.constant 368 : i32
    %add3A_233 = arith.addi %mul3A_2, %add3A_232 : i32
    %add3A_234 = vector.broadcast %add3A_233 : i32 to vector<16xi32>
    %add3A_235 = arith.addi %add3A_234, %iota3A : vector<16xi32>
    %swap3A_236 = arith.constant 4 : i32
    %swap3A_237 = arith.index_cast %swap3A_236 : i32 to index
    %swap3A_238 = arith.constant 48 : index
    %swap3A_239 = tpu.vector_load %arg7[%swap3A_237, %swap3A_238] {strides = array<i32>} : memref<8x80xi32, #tpu.memory_space<vmem>>, vector<1x16xi32>,
    %swap3A_240 = vector.shape_cast %swap3A_239 : vector<1x16xi32> to vector<16xi32>
    %swap3A_241 = vector.shape_cast %add3A_235 : vector<16xi32> to vector<1x16xi32>
    tpu.vector_store %arg7[%swap3A_237, %swap3A_238], %swap3A_241 {strides = array<i32>} : memref<8x80xi32, #tpu.memory_space<vmem>>, vector<1x16xi32>,
    %add3A_242 = arith.constant 384 : i32
    %add3A_243 = arith.addi %mul3A_2, %add3A_242 : i32
    %add3A_244 = vector.broadcast %add3A_243 : i32 to vector<16xi32>
    %add3A_245 = arith.addi %add3A_244, %iota3A : vector<16xi32>
    %swap3A_246 = arith.constant 4 : i32
    %swap3A_247 = arith.index_cast %swap3A_246 : i32 to index
    %swap3A_248 = arith.constant 64 : index
    %swap3A_249 = tpu.vector_load %arg7[%swap3A_247, %swap3A_248] {strides = array<i32>} : memref<8x80xi32, #tpu.memory_space<vmem>>, vector<1x16xi32>,
    %swap3A_250 = vector.shape_cast %swap3A_249 : vector<1x16xi32> to vector<16xi32>
    %swap3A_251 = vector.shape_cast %add3A_245 : vector<16xi32> to vector<1x16xi32>
    tpu.vector_store %arg7[%swap3A_247, %swap3A_248], %swap3A_251 {strides = array<i32>} : memref<8x80xi32, #tpu.memory_space<vmem>>, vector<1x16xi32>,
    %add3A_252 = arith.constant 400 : i32
    %add3A_253 = arith.addi %mul3A_2, %add3A_252 : i32
    %add3A_254 = vector.broadcast %add3A_253 : i32 to vector<16xi32>
    %add3A_255 = arith.addi %add3A_254, %iota3A : vector<16xi32>
    %swap3A_256 = arith.constant 5 : i32
    %swap3A_257 = arith.index_cast %swap3A_256 : i32 to index
    %swap3A_258 = arith.constant 0 : index
    %swap3A_259 = tpu.vector_load %arg7[%swap3A_257, %swap3A_258] {strides = array<i32>} : memref<8x80xi32, #tpu.memory_space<vmem>>, vector<1x16xi32>,
    %swap3A_260 = vector.shape_cast %swap3A_259 : vector<1x16xi32> to vector<16xi32>
    %swap3A_261 = vector.shape_cast %add3A_255 : vector<16xi32> to vector<1x16xi32>
    tpu.vector_store %arg7[%swap3A_257, %swap3A_258], %swap3A_261 {strides = array<i32>} : memref<8x80xi32, #tpu.memory_space<vmem>>, vector<1x16xi32>,
    %add3A_262 = arith.constant 416 : i32
    %add3A_263 = arith.addi %mul3A_2, %add3A_262 : i32
    %add3A_264 = vector.broadcast %add3A_263 : i32 to vector<16xi32>
    %add3A_265 = arith.addi %add3A_264, %iota3A : vector<16xi32>
    %swap3A_266 = arith.constant 5 : i32
    %swap3A_267 = arith.index_cast %swap3A_266 : i32 to index
    %swap3A_268 = arith.constant 16 : index
    %swap3A_269 = tpu.vector_load %arg7[%swap3A_267, %swap3A_268] {strides = array<i32>} : memref<8x80xi32, #tpu.memory_space<vmem>>, vector<1x16xi32>,
    %swap3A_270 = vector.shape_cast %swap3A_269 : vector<1x16xi32> to vector<16xi32>
    %swap3A_271 = vector.shape_cast %add3A_265 : vector<16xi32> to vector<1x16xi32>
    tpu.vector_store %arg7[%swap3A_267, %swap3A_268], %swap3A_271 {strides = array<i32>} : memref<8x80xi32, #tpu.memory_space<vmem>>, vector<1x16xi32>,
    %add3A_272 = arith.constant 432 : i32
    %add3A_273 = arith.addi %mul3A_2, %add3A_272 : i32
    %add3A_274 = vector.broadcast %add3A_273 : i32 to vector<16xi32>
    %add3A_275 = arith.addi %add3A_274, %iota3A : vector<16xi32>
    %swap3A_276 = arith.constant 5 : i32
    %swap3A_277 = arith.index_cast %swap3A_276 : i32 to index
    %swap3A_278 = arith.constant 32 : index
    %swap3A_279 = tpu.vector_load %arg7[%swap3A_277, %swap3A_278] {strides = array<i32>} : memref<8x80xi32, #tpu.memory_space<vmem>>, vector<1x16xi32>,
    %swap3A_280 = vector.shape_cast %swap3A_279 : vector<1x16xi32> to vector<16xi32>
    %swap3A_281 = vector.shape_cast %add3A_275 : vector<16xi32> to vector<1x16xi32>
    tpu.vector_store %arg7[%swap3A_277, %swap3A_278], %swap3A_281 {strides = array<i32>} : memref<8x80xi32, #tpu.memory_space<vmem>>, vector<1x16xi32>,
    %add3A_282 = arith.constant 448 : i32
    %add3A_283 = arith.addi %mul3A_2, %add3A_282 : i32
    %add3A_284 = vector.broadcast %add3A_283 : i32 to vector<16xi32>
    %add3A_285 = arith.addi %add3A_284, %iota3A : vector<16xi32>
    %swap3A_286 = arith.constant 5 : i32
    %swap3A_287 = arith.index_cast %swap3A_286 : i32 to index
    %swap3A_288 = arith.constant 48 : index
    %swap3A_289 = tpu.vector_load %arg7[%swap3A_287, %swap3A_288] {strides = array<i32>} : memref<8x80xi32, #tpu.memory_space<vmem>>, vector<1x16xi32>,
    %swap3A_290 = vector.shape_cast %swap3A_289 : vector<1x16xi32> to vector<16xi32>
    %swap3A_291 = vector.shape_cast %add3A_285 : vector<16xi32> to vector<1x16xi32>
    tpu.vector_store %arg7[%swap3A_287, %swap3A_288], %swap3A_291 {strides = array<i32>} : memref<8x80xi32, #tpu.memory_space<vmem>>, vector<1x16xi32>,
    %add3A_292 = arith.constant 464 : i32
    %add3A_293 = arith.addi %mul3A_2, %add3A_292 : i32
    %add3A_294 = vector.broadcast %add3A_293 : i32 to vector<16xi32>
    %add3A_295 = arith.addi %add3A_294, %iota3A : vector<16xi32>
    %swap3A_296 = arith.constant 5 : i32
    %swap3A_297 = arith.index_cast %swap3A_296 : i32 to index
    %swap3A_298 = arith.constant 64 : index
    %swap3A_299 = tpu.vector_load %arg7[%swap3A_297, %swap3A_298] {strides = array<i32>} : memref<8x80xi32, #tpu.memory_space<vmem>>, vector<1x16xi32>,
    %swap3A_300 = vector.shape_cast %swap3A_299 : vector<1x16xi32> to vector<16xi32>
    %swap3A_301 = vector.shape_cast %add3A_295 : vector<16xi32> to vector<1x16xi32>
    tpu.vector_store %arg7[%swap3A_297, %swap3A_298], %swap3A_301 {strides = array<i32>} : memref<8x80xi32, #tpu.memory_space<vmem>>, vector<1x16xi32>,
    %add3A_302 = arith.constant 480 : i32
    %add3A_303 = arith.addi %mul3A_2, %add3A_302 : i32
    %add3A_304 = vector.broadcast %add3A_303 : i32 to vector<16xi32>
    %add3A_305 = arith.addi %add3A_304, %iota3A : vector<16xi32>
    %swap3A_306 = arith.constant 6 : i32
    %swap3A_307 = arith.index_cast %swap3A_306 : i32 to index
    %swap3A_308 = arith.constant 0 : index
    %swap3A_309 = tpu.vector_load %arg7[%swap3A_307, %swap3A_308] {strides = array<i32>} : memref<8x80xi32, #tpu.memory_space<vmem>>, vector<1x16xi32>,
    %swap3A_310 = vector.shape_cast %swap3A_309 : vector<1x16xi32> to vector<16xi32>
    %swap3A_311 = vector.shape_cast %add3A_305 : vector<16xi32> to vector<1x16xi32>
    tpu.vector_store %arg7[%swap3A_307, %swap3A_308], %swap3A_311 {strides = array<i32>} : memref<8x80xi32, #tpu.memory_space<vmem>>, vector<1x16xi32>,
    %add3A_312 = arith.constant 496 : i32
    %add3A_313 = arith.addi %mul3A_2, %add3A_312 : i32
    %add3A_314 = vector.broadcast %add3A_313 : i32 to vector<16xi32>
    %add3A_315 = arith.addi %add3A_314, %iota3A : vector<16xi32>
    %swap3A_316 = arith.constant 6 : i32
    %swap3A_317 = arith.index_cast %swap3A_316 : i32 to index
    %swap3A_318 = arith.constant 16 : index
    %swap3A_319 = tpu.vector_load %arg7[%swap3A_317, %swap3A_318] {strides = array<i32>} : memref<8x80xi32, #tpu.memory_space<vmem>>, vector<1x16xi32>,
    %swap3A_320 = vector.shape_cast %swap3A_319 : vector<1x16xi32> to vector<16xi32>
    %swap3A_321 = vector.shape_cast %add3A_315 : vector<16xi32> to vector<1x16xi32>
    tpu.vector_store %arg7[%swap3A_317, %swap3A_318], %swap3A_321 {strides = array<i32>} : memref<8x80xi32, #tpu.memory_space<vmem>>, vector<1x16xi32>,
    %add3A_322 = arith.constant 512 : i32
    %add3A_323 = arith.addi %mul3A_2, %add3A_322 : i32
    %add3A_324 = vector.broadcast %add3A_323 : i32 to vector<16xi32>
    %add3A_325 = arith.addi %add3A_324, %iota3A : vector<16xi32>
    %swap3A_326 = arith.constant 6 : i32
    %swap3A_327 = arith.index_cast %swap3A_326 : i32 to index
    %swap3A_328 = arith.constant 32 : index
    %swap3A_329 = tpu.vector_load %arg7[%swap3A_327, %swap3A_328] {strides = array<i32>} : memref<8x80xi32, #tpu.memory_space<vmem>>, vector<1x16xi32>,
    %swap3A_330 = vector.shape_cast %swap3A_329 : vector<1x16xi32> to vector<16xi32>
    %swap3A_331 = vector.shape_cast %add3A_325 : vector<16xi32> to vector<1x16xi32>
    tpu.vector_store %arg7[%swap3A_327, %swap3A_328], %swap3A_331 {strides = array<i32>} : memref<8x80xi32, #tpu.memory_space<vmem>>, vector<1x16xi32>,
    %add3A_332 = arith.constant 528 : i32
    %add3A_333 = arith.addi %mul3A_2, %add3A_332 : i32
    %add3A_334 = vector.broadcast %add3A_333 : i32 to vector<16xi32>
    %add3A_335 = arith.addi %add3A_334, %iota3A : vector<16xi32>
    %swap3A_336 = arith.constant 6 : i32
    %swap3A_337 = arith.index_cast %swap3A_336 : i32 to index
    %swap3A_338 = arith.constant 48 : index
    %swap3A_339 = tpu.vector_load %arg7[%swap3A_337, %swap3A_338] {strides = array<i32>} : memref<8x80xi32, #tpu.memory_space<vmem>>, vector<1x16xi32>,
    %swap3A_340 = vector.shape_cast %swap3A_339 : vector<1x16xi32> to vector<16xi32>
    %swap3A_341 = vector.shape_cast %add3A_335 : vector<16xi32> to vector<1x16xi32>
    tpu.vector_store %arg7[%swap3A_337, %swap3A_338], %swap3A_341 {strides = array<i32>} : memref<8x80xi32, #tpu.memory_space<vmem>>, vector<1x16xi32>,
    %add3A_342 = arith.constant 544 : i32
    %add3A_343 = arith.addi %mul3A_2, %add3A_342 : i32
    %add3A_344 = vector.broadcast %add3A_343 : i32 to vector<16xi32>
    %add3A_345 = arith.addi %add3A_344, %iota3A : vector<16xi32>
    %swap3A_346 = arith.constant 6 : i32
    %swap3A_347 = arith.index_cast %swap3A_346 : i32 to index
    %swap3A_348 = arith.constant 64 : index
    %swap3A_349 = tpu.vector_load %arg7[%swap3A_347, %swap3A_348] {strides = array<i32>} : memref<8x80xi32, #tpu.memory_space<vmem>>, vector<1x16xi32>,
    %swap3A_350 = vector.shape_cast %swap3A_349 : vector<1x16xi32> to vector<16xi32>
    %swap3A_351 = vector.shape_cast %add3A_345 : vector<16xi32> to vector<1x16xi32>
    tpu.vector_store %arg7[%swap3A_347, %swap3A_348], %swap3A_351 {strides = array<i32>} : memref<8x80xi32, #tpu.memory_space<vmem>>, vector<1x16xi32>,
    %add3A_352 = arith.constant 560 : i32
    %add3A_353 = arith.addi %mul3A_2, %add3A_352 : i32
    %add3A_354 = vector.broadcast %add3A_353 : i32 to vector<16xi32>
    %add3A_355 = arith.addi %add3A_354, %iota3A : vector<16xi32>
    %swap3A_356 = arith.constant 7 : i32
    %swap3A_357 = arith.index_cast %swap3A_356 : i32 to index
    %swap3A_358 = arith.constant 0 : index
    %swap3A_359 = tpu.vector_load %arg7[%swap3A_357, %swap3A_358] {strides = array<i32>} : memref<8x80xi32, #tpu.memory_space<vmem>>, vector<1x16xi32>,
    %swap3A_360 = vector.shape_cast %swap3A_359 : vector<1x16xi32> to vector<16xi32>
    %swap3A_361 = vector.shape_cast %add3A_355 : vector<16xi32> to vector<1x16xi32>
    tpu.vector_store %arg7[%swap3A_357, %swap3A_358], %swap3A_361 {strides = array<i32>} : memref<8x80xi32, #tpu.memory_space<vmem>>, vector<1x16xi32>,
    %add3A_362 = arith.constant 576 : i32
    %add3A_363 = arith.addi %mul3A_2, %add3A_362 : i32
    %add3A_364 = vector.broadcast %add3A_363 : i32 to vector<16xi32>
    %add3A_365 = arith.addi %add3A_364, %iota3A : vector<16xi32>
    %swap3A_366 = arith.constant 7 : i32
    %swap3A_367 = arith.index_cast %swap3A_366 : i32 to index
    %swap3A_368 = arith.constant 16 : index
    %swap3A_369 = tpu.vector_load %arg7[%swap3A_367, %swap3A_368] {strides = array<i32>} : memref<8x80xi32, #tpu.memory_space<vmem>>, vector<1x16xi32>,
    %swap3A_370 = vector.shape_cast %swap3A_369 : vector<1x16xi32> to vector<16xi32>
    %swap3A_371 = vector.shape_cast %add3A_365 : vector<16xi32> to vector<1x16xi32>
    tpu.vector_store %arg7[%swap3A_367, %swap3A_368], %swap3A_371 {strides = array<i32>} : memref<8x80xi32, #tpu.memory_space<vmem>>, vector<1x16xi32>,
    %add3A_372 = arith.constant 592 : i32
    %add3A_373 = arith.addi %mul3A_2, %add3A_372 : i32
    %add3A_374 = vector.broadcast %add3A_373 : i32 to vector<16xi32>
    %add3A_375 = arith.addi %add3A_374, %iota3A : vector<16xi32>
    %swap3A_376 = arith.constant 7 : i32
    %swap3A_377 = arith.index_cast %swap3A_376 : i32 to index
    %swap3A_378 = arith.constant 32 : index
    %swap3A_379 = tpu.vector_load %arg7[%swap3A_377, %swap3A_378] {strides = array<i32>} : memref<8x80xi32, #tpu.memory_space<vmem>>, vector<1x16xi32>,
    %swap3A_380 = vector.shape_cast %swap3A_379 : vector<1x16xi32> to vector<16xi32>
    %swap3A_381 = vector.shape_cast %add3A_375 : vector<16xi32> to vector<1x16xi32>
    tpu.vector_store %arg7[%swap3A_377, %swap3A_378], %swap3A_381 {strides = array<i32>} : memref<8x80xi32, #tpu.memory_space<vmem>>, vector<1x16xi32>,
    %add3A_382 = arith.constant 608 : i32
    %add3A_383 = arith.addi %mul3A_2, %add3A_382 : i32
    %add3A_384 = vector.broadcast %add3A_383 : i32 to vector<16xi32>
    %add3A_385 = arith.addi %add3A_384, %iota3A : vector<16xi32>
    %swap3A_386 = arith.constant 7 : i32
    %swap3A_387 = arith.index_cast %swap3A_386 : i32 to index
    %swap3A_388 = arith.constant 48 : index
    %swap3A_389 = tpu.vector_load %arg7[%swap3A_387, %swap3A_388] {strides = array<i32>} : memref<8x80xi32, #tpu.memory_space<vmem>>, vector<1x16xi32>,
    %swap3A_390 = vector.shape_cast %swap3A_389 : vector<1x16xi32> to vector<16xi32>
    %swap3A_391 = vector.shape_cast %add3A_385 : vector<16xi32> to vector<1x16xi32>
    tpu.vector_store %arg7[%swap3A_387, %swap3A_388], %swap3A_391 {strides = array<i32>} : memref<8x80xi32, #tpu.memory_space<vmem>>, vector<1x16xi32>,
    %add3A_392 = arith.constant 624 : i32
    %add3A_393 = arith.addi %mul3A_2, %add3A_392 : i32
    %add3A_394 = vector.broadcast %add3A_393 : i32 to vector<16xi32>
    %add3A_395 = arith.addi %add3A_394, %iota3A : vector<16xi32>
    %swap3A_396 = arith.constant 7 : i32
    %swap3A_397 = arith.index_cast %swap3A_396 : i32 to index
    %swap3A_398 = arith.constant 64 : index
    %swap3A_399 = tpu.vector_load %arg7[%swap3A_397, %swap3A_398] {strides = array<i32>} : memref<8x80xi32, #tpu.memory_space<vmem>>, vector<1x16xi32>,
    %swap3A_400 = vector.shape_cast %swap3A_399 : vector<1x16xi32> to vector<16xi32>
    %swap3A_401 = vector.shape_cast %add3A_395 : vector<16xi32> to vector<1x16xi32>
    tpu.vector_store %arg7[%swap3A_397, %swap3A_398], %swap3A_401 {strides = array<i32>} : memref<8x80xi32, #tpu.memory_space<vmem>>, vector<1x16xi32>,
    %broadcast_in_dim3A = arith.constant 0.000000e+00 : f32
    %broadcast_in_dim3A_402 = vector.broadcast %broadcast_in_dim3A : f32 to vector<16xf32>
    %scan3A = arith.constant 0 : i32
    %scan3A_403 = arith.constant 100 : i32
    %scan3A_404 = arith.addi %scan3A, %scan3A_403 : i32
    %scan3A_405 = arith.constant 1 : i32
    scf.for %scan3A_423 = %scan3A to %scan3A_404 step %scan3A_405  : i32 {
      %swap3A_424 = arith.index_cast %scan3A_423 : i32 to index
      %swap3A_425 = arith.constant 0 : index
      %swap3A_426 = tpu.vector_load %arg6[%swap3A_424, %swap3A_425] {strides = array<i32>} : memref<100x32xf32, #tpu.memory_space<vmem>>, vector<1x16xf32>,
      %swap3A_427 = vector.shape_cast %swap3A_426 : vector<1x16xf32> to vector<16xf32>
      %swap3A_428 = vector.shape_cast %broadcast_in_dim3A_402 : vector<16xf32> to vector<1x16xf32>
      tpu.vector_store %arg6[%swap3A_424, %swap3A_425], %swap3A_428 {strides = array<i32>} : memref<100x32xf32, #tpu.memory_space<vmem>>, vector<1x16xf32>,
      %swap3A_429 = arith.index_cast %scan3A_423 : i32 to index
      %swap3A_430 = arith.constant 16 : index
      %swap3A_431 = tpu.vector_load %arg6[%swap3A_429, %swap3A_430] {strides = array<i32>} : memref<100x32xf32, #tpu.memory_space<vmem>>, vector<1x16xf32>,
      %swap3A_432 = vector.shape_cast %swap3A_431 : vector<1x16xf32> to vector<16xf32>
      %swap3A_433 = vector.shape_cast %broadcast_in_dim3A_402 : vector<16xf32> to vector<1x16xf32>
      tpu.vector_store %arg6[%swap3A_429, %swap3A_430], %swap3A_433 {strides = array<i32>} : memref<100x32xf32, #tpu.memory_space<vmem>>, vector<1x16xf32>,
    }
    %scan3A_406 = arith.constant 100 : i32
    %scan3A_407 = arith.constant 0 : i32
    %scan3A_408 = arith.constant 8 : i32
    %scan3A_409 = arith.addi %scan3A_407, %scan3A_408 : i32
    %scan3A_410 = arith.constant 1 : i32
    scf.for %scan3A_423 = %scan3A_407 to %scan3A_409 step %scan3A_410  : i32 {
      "tpu.region"() ({
        %run_scoped3A = tpu.sem_alloc : memref<!tpu.dma_semaphore, #tpu.memory_space<semaphore_mem>>
        %dma_start3A = arith.constant 0 : i32
        %dma_start3A_424 = arith.constant 0 : i32
        %dma_start3A_425 = tpu.memref_slice %arg6[%dma_start3A, %dma_start3A_424] : memref<100x32xf32, #tpu.memory_space<vmem>> -> memref<80x32xf32, #tpu.memory_space<vmem>>
        %dma_start3A_426 = arith.constant 0 : i32
        %dma_start3A_427 = tpu.memref_slice %arg7[%scan3A_423, %dma_start3A_426] : memref<8x80xi32, #tpu.memory_space<vmem>> -> memref<1x80xi32, #tpu.memory_space<vmem>>
        %dma_start3A_428 = tpu.memref_squeeze %dma_start3A_427 : memref<1x80xi32, #tpu.memory_space<vmem>> -> memref<80xi32, #tpu.memory_space<vmem>>
        %dma_start3A_429 = arith.constant 0 : i32
        %dma_start3A_430 = arith.constant 0 : i32
        %dma_start3A_431 = tpu.memref_slice %arg8[%dma_start3A_429, %dma_start3A_430] : memref<10240x32xf32, #tpu.memory_space<vmem_shared>> -> memref<10240x32xf32, #tpu.memory_space<vmem_shared>>
        tpu.enqueue_indirect_dma source(%dma_start3A_425 : memref<80x32xf32, #tpu.memory_space<vmem>>) target(%dma_start3A_431 : memref<10240x32xf32, #tpu.memory_space<vmem_shared>>) offsets(%dma_start3A_428 : memref<80xi32, #tpu.memory_space<vmem>>) semaphore(%run_scoped3A : memref<!tpu.dma_semaphore, #tpu.memory_space<semaphore_mem>>)
        %dma_wait3A = arith.constant 0 : i32
        %dma_wait3A_432 = arith.constant 0 : i32
        %dma_wait3A_433 = tpu.memref_slice %arg6[%dma_wait3A, %dma_wait3A_432] : memref<100x32xf32, #tpu.memory_space<vmem>> -> memref<80x32xf32, #tpu.memory_space<vmem>>
        %dma_wait3A_434 = arith.constant 0 : i32
        %dma_wait3A_435 = tpu.memref_slice %arg7[%scan3A_423, %dma_wait3A_434] : memref<8x80xi32, #tpu.memory_space<vmem>> -> memref<1x80xi32, #tpu.memory_space<vmem>>
        %dma_wait3A_436 = tpu.memref_squeeze %dma_wait3A_435 : memref<1x80xi32, #tpu.memory_space<vmem>> -> memref<80xi32, #tpu.memory_space<vmem>>
        %dma_wait3A_437 = arith.constant 0 : i32
        %dma_wait3A_438 = arith.constant 0 : i32
        %dma_wait3A_439 = tpu.memref_slice %arg8[%dma_wait3A_437, %dma_wait3A_438] : memref<10240x32xf32, #tpu.memory_space<vmem_shared>> -> memref<10240x32xf32, #tpu.memory_space<vmem_shared>>
        tpu.wait_indirect_dma semaphore(%run_scoped3A : memref<!tpu.dma_semaphore, #tpu.memory_space<semaphore_mem>>) src(%dma_wait3A_433 : memref<80x32xf32, #tpu.memory_space<vmem>>) dst(%dma_wait3A_439 : memref<10240x32xf32, #tpu.memory_space<vmem_shared>>)
        tpu.yield
      }) : () -> ()
    }
    %scan3A_411 = arith.constant 8 : i32
    %barrier3A = arith.constant 0 : index
    tpu.barrier barrier_id(%barrier3A)
    "tpu.region"() ({
      %run_scoped3A = tpu.sem_alloc : memref<!tpu.dma_semaphore, #tpu.memory_space<semaphore_mem>>
      %dma_start3A = arith.constant 0 : i32
      %dma_start3A_423 = arith.constant 0 : i32
      %dma_start3A_424 = tpu.memref_slice %arg3[%add3A, %dma_start3A, %dma_start3A_423] : memref<32x100x100xi32, #tpu.memory_space<hbm>> -> memref<1x100x100xi32, #tpu.memory_space<hbm>>
      %dma_start3A_425 = tpu.memref_squeeze %dma_start3A_424 : memref<1x100x100xi32, #tpu.memory_space<hbm>> -> memref<100x100xi32, #tpu.memory_space<hbm>>
      %dma_start3A_426 = arith.constant 0 : i32
      %dma_start3A_427 = arith.constant 0 : i32
      %dma_start3A_428 = tpu.memref_slice %arg3[%add3A, %dma_start3A_426, %dma_start3A_427] : memref<32x100x100xi32, #tpu.memory_space<hbm>> -> memref<1x100x100xi32, #tpu.memory_space<hbm>>
      %dma_start3A_429 = tpu.memref_squeeze %dma_start3A_428 : memref<1x100x100xi32, #tpu.memory_space<hbm>> -> memref<100x100xi32, #tpu.memory_space<hbm>>
      tpu.enqueue_dma source(%dma_start3A_429 : memref<100x100xi32, #tpu.memory_space<hbm>>) target(%arg5 : memref<100x100xi32, #tpu.memory_space<vmem>>) target_semaphore(%run_scoped3A : memref<!tpu.dma_semaphore, #tpu.memory_space<semaphore_mem>>)
      %dma_wait3A = arith.constant 0 : i32
      %dma_wait3A_430 = arith.constant 0 : i32
      %dma_wait3A_431 = tpu.memref_slice %arg3[%add3A, %dma_wait3A, %dma_wait3A_430] : memref<32x100x100xi32, #tpu.memory_space<hbm>> -> memref<1x100x100xi32, #tpu.memory_space<hbm>>
      %dma_wait3A_432 = tpu.memref_squeeze %dma_wait3A_431 : memref<1x100x100xi32, #tpu.memory_space<hbm>> -> memref<100x100xi32, #tpu.memory_space<hbm>>
      %dma_wait3A_433 = arith.constant 0 : i32
      %dma_wait3A_434 = arith.constant 0 : i32
      %dma_wait3A_435 = tpu.memref_slice %arg3[%add3A, %dma_wait3A_433, %dma_wait3A_434] : memref<32x100x100xi32, #tpu.memory_space<hbm>> -> memref<1x100x100xi32, #tpu.memory_space<hbm>>
      %dma_wait3A_436 = tpu.memref_squeeze %dma_wait3A_435 : memref<1x100x100xi32, #tpu.memory_space<hbm>> -> memref<100x100xi32, #tpu.memory_space<hbm>>
      tpu.wait_dma2 semaphore(%run_scoped3A : memref<!tpu.dma_semaphore, #tpu.memory_space<semaphore_mem>>) src(%dma_wait3A_436 : memref<100x100xi32, #tpu.memory_space<hbm>>) dst(%arg5 : memref<100x100xi32, #tpu.memory_space<vmem>>)
      tpu.yield
    }) : () -> ()
    %scan3A_412 = arith.constant 0 : i32
    %scan3A_413 = arith.constant 100 : i32
    %scan3A_414 = arith.addi %scan3A_412, %scan3A_413 : i32
    %scan3A_415 = arith.constant 1 : i32
    scf.for %scan3A_423 = %scan3A_412 to %scan3A_414 step %scan3A_415  : i32 {
      "tpu.region"() ({
        %run_scoped3A = tpu.sem_alloc : memref<!tpu.dma_semaphore, #tpu.memory_space<semaphore_mem>>
        %dma_start3A = arith.constant 0 : i32
        %dma_start3A_424 = arith.constant 0 : i32
        %dma_start3A_425 = tpu.memref_slice %arg2[%add3A, %scan3A_423, %dma_start3A, %dma_start3A_424] : memref<32x100x100x32xf32, #tpu.memory_space<hbm>> -> memref<1x1x100x32xf32, #tpu.memory_space<hbm>>
        %dma_start3A_426 = tpu.memref_squeeze %dma_start3A_425 : memref<1x1x100x32xf32, #tpu.memory_space<hbm>> -> memref<100x32xf32, #tpu.memory_space<hbm>>
        %dma_start3A_427 = arith.constant 0 : i32
        %dma_start3A_428 = arith.constant 0 : i32
        %dma_start3A_429 = tpu.memref_slice %arg2[%add3A, %scan3A_423, %dma_start3A_427, %dma_start3A_428] : memref<32x100x100x32xf32, #tpu.memory_space<hbm>> -> memref<1x1x100x32xf32, #tpu.memory_space<hbm>>
        %dma_start3A_430 = tpu.memref_squeeze %dma_start3A_429 : memref<1x1x100x32xf32, #tpu.memory_space<hbm>> -> memref<100x32xf32, #tpu.memory_space<hbm>>
        tpu.enqueue_dma source(%dma_start3A_430 : memref<100x32xf32, #tpu.memory_space<hbm>>) target(%arg6 : memref<100x32xf32, #tpu.memory_space<vmem>>) target_semaphore(%run_scoped3A : memref<!tpu.dma_semaphore, #tpu.memory_space<semaphore_mem>>)
        %dma_wait3A = arith.constant 0 : i32
        %dma_wait3A_431 = arith.constant 0 : i32
        %dma_wait3A_432 = tpu.memref_slice %arg2[%add3A, %scan3A_423, %dma_wait3A, %dma_wait3A_431] : memref<32x100x100x32xf32, #tpu.memory_space<hbm>> -> memref<1x1x100x32xf32, #tpu.memory_space<hbm>>
        %dma_wait3A_433 = tpu.memref_squeeze %dma_wait3A_432 : memref<1x1x100x32xf32, #tpu.memory_space<hbm>> -> memref<100x32xf32, #tpu.memory_space<hbm>>
        %dma_wait3A_434 = arith.constant 0 : i32
        %dma_wait3A_435 = arith.constant 0 : i32
        %dma_wait3A_436 = tpu.memref_slice %arg2[%add3A, %scan3A_423, %dma_wait3A_434, %dma_wait3A_435] : memref<32x100x100x32xf32, #tpu.memory_space<hbm>> -> memref<1x1x100x32xf32, #tpu.memory_space<hbm>>
        %dma_wait3A_437 = tpu.memref_squeeze %dma_wait3A_436 : memref<1x1x100x32xf32, #tpu.memory_space<hbm>> -> memref<100x32xf32, #tpu.memory_space<hbm>>
        tpu.wait_dma2 semaphore(%run_scoped3A : memref<!tpu.dma_semaphore, #tpu.memory_space<semaphore_mem>>) src(%dma_wait3A_437 : memref<100x32xf32, #tpu.memory_space<hbm>>) dst(%arg6 : memref<100x32xf32, #tpu.memory_space<vmem>>)
        tpu.yield
      }) : () -> ()
      "tpu.region"() ({
        %run_scoped3A = tpu.sem_alloc : memref<!tpu.dma_semaphore, #tpu.memory_space<semaphore_mem>>
        %dma_start3A = arith.constant 0 : i32
        %dma_start3A_424 = tpu.memref_slice %arg5[%scan3A_423, %dma_start3A] : memref<100x100xi32, #tpu.memory_space<vmem>> -> memref<1x100xi32, #tpu.memory_space<vmem>>
        %dma_start3A_425 = tpu.memref_squeeze %dma_start3A_424 : memref<1x100xi32, #tpu.memory_space<vmem>> -> memref<100xi32, #tpu.memory_space<vmem>>
        %dma_start3A_426 = arith.constant 0 : i32
        %dma_start3A_427 = arith.constant 0 : i32
        %dma_start3A_428 = tpu.memref_slice %arg8[%dma_start3A_426, %dma_start3A_427] : memref<10240x32xf32, #tpu.memory_space<vmem_shared>> -> memref<10240x32xf32, #tpu.memory_space<vmem_shared>>
        tpu.enqueue_indirect_dma source(%arg6 : memref<100x32xf32, #tpu.memory_space<vmem>>) target(%dma_start3A_428 : memref<10240x32xf32, #tpu.memory_space<vmem_shared>>) offsets(%dma_start3A_425 : memref<100xi32, #tpu.memory_space<vmem>>) semaphore(%run_scoped3A : memref<!tpu.dma_semaphore, #tpu.memory_space<semaphore_mem>>) {add = true}
        %dma_wait3A = arith.constant 0 : i32
        %dma_wait3A_429 = tpu.memref_slice %arg5[%scan3A_423, %dma_wait3A] : memref<100x100xi32, #tpu.memory_space<vmem>> -> memref<1x100xi32, #tpu.memory_space<vmem>>
        %dma_wait3A_430 = tpu.memref_squeeze %dma_wait3A_429 : memref<1x100xi32, #tpu.memory_space<vmem>> -> memref<100xi32, #tpu.memory_space<vmem>>
        %dma_wait3A_431 = arith.constant 0 : i32
        %dma_wait3A_432 = arith.constant 0 : i32
        %dma_wait3A_433 = tpu.memref_slice %arg8[%dma_wait3A_431, %dma_wait3A_432] : memref<10240x32xf32, #tpu.memory_space<vmem_shared>> -> memref<10240x32xf32, #tpu.memory_space<vmem_shared>>
        tpu.wait_indirect_dma semaphore(%run_scoped3A : memref<!tpu.dma_semaphore, #tpu.memory_space<semaphore_mem>>) src(%arg6 : memref<100x32xf32, #tpu.memory_space<vmem>>) dst(%dma_wait3A_433 : memref<10240x32xf32, #tpu.memory_space<vmem_shared>>)
        tpu.yield
      }) : () -> ()
    }
    %scan3A_416 = arith.constant 100 : i32
    %barrier3A_417 = arith.constant 0 : index
    tpu.barrier barrier_id(%barrier3A_417)
    %scan3A_418 = arith.constant 0 : i32
    %scan3A_419 = arith.constant 8 : i32
    %scan3A_420 = arith.addi %scan3A_418, %scan3A_419 : i32
    %scan3A_421 = arith.constant 1 : i32
    scf.for %scan3A_423 = %scan3A_418 to %scan3A_420 step %scan3A_421  : i32 {
      "tpu.region"() ({
        %run_scoped3A = tpu.sem_alloc : memref<!tpu.dma_semaphore, #tpu.memory_space<semaphore_mem>>
        %dma_start3A = arith.constant 0 : i32
        %dma_start3A_424 = arith.constant 0 : i32
        %dma_start3A_425 = tpu.memref_slice %arg6[%dma_start3A, %dma_start3A_424] : memref<100x32xf32, #tpu.memory_space<vmem>> -> memref<80x32xf32, #tpu.memory_space<vmem>>
        %dma_start3A_426 = arith.constant 0 : i32
        %dma_start3A_427 = tpu.memref_slice %arg7[%scan3A_423, %dma_start3A_426] : memref<8x80xi32, #tpu.memory_space<vmem>> -> memref<1x80xi32, #tpu.memory_space<vmem>>
        %dma_start3A_428 = tpu.memref_squeeze %dma_start3A_427 : memref<1x80xi32, #tpu.memory_space<vmem>> -> memref<80xi32, #tpu.memory_space<vmem>>
        %dma_start3A_429 = arith.constant 0 : i32
        %dma_start3A_430 = arith.constant 0 : i32
        %dma_start3A_431 = tpu.memref_slice %arg8[%dma_start3A_429, %dma_start3A_430] : memref<10240x32xf32, #tpu.memory_space<vmem_shared>> -> memref<10240x32xf32, #tpu.memory_space<vmem_shared>>
        tpu.enqueue_indirect_dma source(%dma_start3A_431 : memref<10240x32xf32, #tpu.memory_space<vmem_shared>>) target(%dma_start3A_425 : memref<80x32xf32, #tpu.memory_space<vmem>>) offsets(%dma_start3A_428 : memref<80xi32, #tpu.memory_space<vmem>>) semaphore(%run_scoped3A : memref<!tpu.dma_semaphore, #tpu.memory_space<semaphore_mem>>)
        %dma_wait3A = arith.constant 0 : i32
        %dma_wait3A_432 = arith.constant 0 : i32
        %dma_wait3A_433 = tpu.memref_slice %arg6[%dma_wait3A, %dma_wait3A_432] : memref<100x32xf32, #tpu.memory_space<vmem>> -> memref<80x32xf32, #tpu.memory_space<vmem>>
        %dma_wait3A_434 = arith.constant 0 : i32
        %dma_wait3A_435 = tpu.memref_slice %arg7[%scan3A_423, %dma_wait3A_434] : memref<8x80xi32, #tpu.memory_space<vmem>> -> memref<1x80xi32, #tpu.memory_space<vmem>>
        %dma_wait3A_436 = tpu.memref_squeeze %dma_wait3A_435 : memref<1x80xi32, #tpu.memory_space<vmem>> -> memref<80xi32, #tpu.memory_space<vmem>>
        %dma_wait3A_437 = arith.constant 0 : i32
        %dma_wait3A_438 = arith.constant 0 : i32
        %dma_wait3A_439 = tpu.memref_slice %arg8[%dma_wait3A_437, %dma_wait3A_438] : memref<10240x32xf32, #tpu.memory_space<vmem_shared>> -> memref<10240x32xf32, #tpu.memory_space<vmem_shared>>
        tpu.wait_indirect_dma semaphore(%run_scoped3A : memref<!tpu.dma_semaphore, #tpu.memory_space<semaphore_mem>>) src(%dma_wait3A_439 : memref<10240x32xf32, #tpu.memory_space<vmem_shared>>) dst(%dma_wait3A_433 : memref<80x32xf32, #tpu.memory_space<vmem>>)
        tpu.yield
      }) : () -> ()
      "tpu.region"() ({
        %run_scoped3A = tpu.sem_alloc : memref<!tpu.dma_semaphore, #tpu.memory_space<semaphore_mem>>
        %dma_start3A = arith.constant 0 : i32
        %dma_start3A_424 = arith.constant 0 : i32
        %dma_start3A_425 = tpu.memref_slice %arg6[%dma_start3A, %dma_start3A_424] : memref<100x32xf32, #tpu.memory_space<vmem>> -> memref<80x32xf32, #tpu.memory_space<vmem>>
        %dma_start3A_426 = arith.constant 0 : i32
        %dma_start3A_427 = arith.constant 0 : i32
        %dma_start3A_428 = tpu.memref_slice %arg4[%arg0, %arg1, %scan3A_423, %dma_start3A_426, %dma_start3A_427] : memref<2x16x8x80x32xf32, #tpu.memory_space<hbm>> -> memref<1x1x1x80x32xf32, #tpu.memory_space<hbm>>
        %dma_start3A_429 = tpu.memref_squeeze %dma_start3A_428 : memref<1x1x1x80x32xf32, #tpu.memory_space<hbm>> -> memref<80x32xf32, #tpu.memory_space<hbm>>
        %dma_start3A_430 = arith.constant 0 : i32
        %dma_start3A_431 = arith.constant 0 : i32
        %dma_start3A_432 = tpu.memref_slice %arg4[%arg0, %arg1, %scan3A_423, %dma_start3A_430, %dma_start3A_431] : memref<2x16x8x80x32xf32, #tpu.memory_space<hbm>> -> memref<1x1x1x80x32xf32, #tpu.memory_space<hbm>>
        %dma_start3A_433 = tpu.memref_squeeze %dma_start3A_432 : memref<1x1x1x80x32xf32, #tpu.memory_space<hbm>> -> memref<80x32xf32, #tpu.memory_space<hbm>>
        %dma_start3A_434 = arith.constant 0 : i32
        %dma_start3A_435 = arith.constant 0 : i32
        %dma_start3A_436 = tpu.memref_slice %arg6[%dma_start3A_434, %dma_start3A_435] : memref<100x32xf32, #tpu.memory_space<vmem>> -> memref<80x32xf32, #tpu.memory_space<vmem>>
        tpu.enqueue_dma source(%dma_start3A_436 : memref<80x32xf32, #tpu.memory_space<vmem>>) target(%dma_start3A_433 : memref<80x32xf32, #tpu.memory_space<hbm>>) target_semaphore(%run_scoped3A : memref<!tpu.dma_semaphore, #tpu.memory_space<semaphore_mem>>)
        %dma_wait3A = arith.constant 0 : i32
        %dma_wait3A_437 = arith.constant 0 : i32
        %dma_wait3A_438 = tpu.memref_slice %arg6[%dma_wait3A, %dma_wait3A_437] : memref<100x32xf32, #tpu.memory_space<vmem>> -> memref<80x32xf32, #tpu.memory_space<vmem>>
        %dma_wait3A_439 = arith.constant 0 : i32
        %dma_wait3A_440 = arith.constant 0 : i32
        %dma_wait3A_441 = tpu.memref_slice %arg4[%arg0, %arg1, %scan3A_423, %dma_wait3A_439, %dma_wait3A_440] : memref<2x16x8x80x32xf32, #tpu.memory_space<hbm>> -> memref<1x1x1x80x32xf32, #tpu.memory_space<hbm>>
        %dma_wait3A_442 = tpu.memref_squeeze %dma_wait3A_441 : memref<1x1x1x80x32xf32, #tpu.memory_space<hbm>> -> memref<80x32xf32, #tpu.memory_space<hbm>>
        %dma_wait3A_443 = arith.constant 0 : i32
        %dma_wait3A_444 = arith.constant 0 : i32
        %dma_wait3A_445 = tpu.memref_slice %arg4[%arg0, %arg1, %scan3A_423, %dma_wait3A_443, %dma_wait3A_444] : memref<2x16x8x80x32xf32, #tpu.memory_space<hbm>> -> memref<1x1x1x80x32xf32, #tpu.memory_space<hbm>>
        %dma_wait3A_446 = tpu.memref_squeeze %dma_wait3A_445 : memref<1x1x1x80x32xf32, #tpu.memory_space<hbm>> -> memref<80x32xf32, #tpu.memory_space<hbm>>
        %dma_wait3A_447 = arith.constant 0 : i32
        %dma_wait3A_448 = arith.constant 0 : i32
        %dma_wait3A_449 = tpu.memref_slice %arg6[%dma_wait3A_447, %dma_wait3A_448] : memref<100x32xf32, #tpu.memory_space<vmem>> -> memref<80x32xf32, #tpu.memory_space<vmem>>
        tpu.wait_dma2 semaphore(%run_scoped3A : memref<!tpu.dma_semaphore, #tpu.memory_space<semaphore_mem>>) src(%dma_wait3A_449 : memref<80x32xf32, #tpu.memory_space<vmem>>) dst(%dma_wait3A_446 : memref<80x32xf32, #tpu.memory_space<hbm>>)
        tpu.yield
      }) : () -> ()
    }
    %scan3A_422 = arith.constant 8 : i32
    return
  }
}

#map = affine_map<(d0, d1) -> (0, 0)>
#map1 = affine_map<(d0, d1) -> (0, 0, 0)>
module attributes {stable_mosaic.version = 14 : i64} {
  func.func @_edge_body(%arg0: i32, %arg1: i32, %arg2: memref<20000x128xf32, #tpu.memory_space<hbm>>, %arg3: memref<20000x128xf32, #tpu.memory_space<hbm>>, %arg4: memref<32x250x80xi32, #tpu.memory_space<hbm>>, %arg5: memref<32x250x80xi32, #tpu.memory_space<hbm>>, %arg6: memref<640000x128xf32, #tpu.memory_space<hbm>>, %arg7: memref<250x80xi32, #tpu.memory_space<vmem>>, %arg8: memref<250x80xi32, #tpu.memory_space<vmem>>, %arg9: memref<80x128xf32, #tpu.memory_space<vmem>>, %arg10: memref<80x128xf32, #tpu.memory_space<vmem>>, %arg11: memref<80x128xf32, #tpu.memory_space<vmem>>, %arg12: memref<80x128xf32, #tpu.memory_space<vmem>>, %arg13: memref<!tpu.dma_semaphore, #tpu.memory_space<semaphore_mem>>, %arg14: memref<!tpu.dma_semaphore, #tpu.memory_space<semaphore_mem>>, %arg15: memref<!tpu.dma_semaphore, #tpu.memory_space<semaphore_mem>>, %arg16: memref<!tpu.dma_semaphore, #tpu.memory_space<semaphore_mem>>) attributes {dimension_semantics = [#tpu.dimension_semantics<core_parallel>, #tpu.dimension_semantics<subcore_parallel>], iteration_bounds = array<i64: 2, 16>, scalar_prefetch = 0 : i64, scratch_operands = 10 : i64, tpu.core_type = #tpu.core_type<sc_vector_subcore>, window_params = [{transform_indices = #map}, {transform_indices = #map}, {transform_indices = #map1}, {transform_indices = #map1}, {transform_indices = #map}]} {
    %mul3A = arith.constant 16 : i32
    %mul3A_0 = arith.muli %arg0, %mul3A : i32
    %add3A = arith.addi %mul3A_0, %arg1 : i32
    "tpu.region"() ({
      %run_scoped3A = tpu.sem_alloc : memref<!tpu.dma_semaphore, #tpu.memory_space<semaphore_mem>>
      %dma_start3A_27 = arith.constant 0 : i32
      %dma_start3A_28 = arith.constant 0 : i32
      %dma_start3A_29 = tpu.memref_slice %arg4[%add3A, %dma_start3A_27, %dma_start3A_28] : memref<32x250x80xi32, #tpu.memory_space<hbm>> -> memref<1x250x80xi32, #tpu.memory_space<hbm>>
      %dma_start3A_30 = tpu.memref_squeeze %dma_start3A_29 : memref<1x250x80xi32, #tpu.memory_space<hbm>> -> memref<250x80xi32, #tpu.memory_space<hbm>>
      %dma_start3A_31 = arith.constant 0 : i32
      %dma_start3A_32 = arith.constant 0 : i32
      %dma_start3A_33 = tpu.memref_slice %arg4[%add3A, %dma_start3A_31, %dma_start3A_32] : memref<32x250x80xi32, #tpu.memory_space<hbm>> -> memref<1x250x80xi32, #tpu.memory_space<hbm>>
      %dma_start3A_34 = tpu.memref_squeeze %dma_start3A_33 : memref<1x250x80xi32, #tpu.memory_space<hbm>> -> memref<250x80xi32, #tpu.memory_space<hbm>>
      tpu.enqueue_dma source(%dma_start3A_34 : memref<250x80xi32, #tpu.memory_space<hbm>>) target(%arg7 : memref<250x80xi32, #tpu.memory_space<vmem>>) target_semaphore(%run_scoped3A : memref<!tpu.dma_semaphore, #tpu.memory_space<semaphore_mem>>)
      %dma_wait3A_35 = arith.constant 0 : i32
      %dma_wait3A_36 = arith.constant 0 : i32
      %dma_wait3A_37 = tpu.memref_slice %arg4[%add3A, %dma_wait3A_35, %dma_wait3A_36] : memref<32x250x80xi32, #tpu.memory_space<hbm>> -> memref<1x250x80xi32, #tpu.memory_space<hbm>>
      %dma_wait3A_38 = tpu.memref_squeeze %dma_wait3A_37 : memref<1x250x80xi32, #tpu.memory_space<hbm>> -> memref<250x80xi32, #tpu.memory_space<hbm>>
      %dma_wait3A_39 = arith.constant 0 : i32
      %dma_wait3A_40 = arith.constant 0 : i32
      %dma_wait3A_41 = tpu.memref_slice %arg4[%add3A, %dma_wait3A_39, %dma_wait3A_40] : memref<32x250x80xi32, #tpu.memory_space<hbm>> -> memref<1x250x80xi32, #tpu.memory_space<hbm>>
      %dma_wait3A_42 = tpu.memref_squeeze %dma_wait3A_41 : memref<1x250x80xi32, #tpu.memory_space<hbm>> -> memref<250x80xi32, #tpu.memory_space<hbm>>
      tpu.wait_dma2 semaphore(%run_scoped3A : memref<!tpu.dma_semaphore, #tpu.memory_space<semaphore_mem>>) src(%dma_wait3A_42 : memref<250x80xi32, #tpu.memory_space<hbm>>) dst(%arg7 : memref<250x80xi32, #tpu.memory_space<vmem>>)
      tpu.yield
    }) : () -> ()
    "tpu.region"() ({
      %run_scoped3A = tpu.sem_alloc : memref<!tpu.dma_semaphore, #tpu.memory_space<semaphore_mem>>
      %dma_start3A_27 = arith.constant 0 : i32
      %dma_start3A_28 = arith.constant 0 : i32
      %dma_start3A_29 = tpu.memref_slice %arg5[%add3A, %dma_start3A_27, %dma_start3A_28] : memref<32x250x80xi32, #tpu.memory_space<hbm>> -> memref<1x250x80xi32, #tpu.memory_space<hbm>>
      %dma_start3A_30 = tpu.memref_squeeze %dma_start3A_29 : memref<1x250x80xi32, #tpu.memory_space<hbm>> -> memref<250x80xi32, #tpu.memory_space<hbm>>
      %dma_start3A_31 = arith.constant 0 : i32
      %dma_start3A_32 = arith.constant 0 : i32
      %dma_start3A_33 = tpu.memref_slice %arg5[%add3A, %dma_start3A_31, %dma_start3A_32] : memref<32x250x80xi32, #tpu.memory_space<hbm>> -> memref<1x250x80xi32, #tpu.memory_space<hbm>>
      %dma_start3A_34 = tpu.memref_squeeze %dma_start3A_33 : memref<1x250x80xi32, #tpu.memory_space<hbm>> -> memref<250x80xi32, #tpu.memory_space<hbm>>
      tpu.enqueue_dma source(%dma_start3A_34 : memref<250x80xi32, #tpu.memory_space<hbm>>) target(%arg8 : memref<250x80xi32, #tpu.memory_space<vmem>>) target_semaphore(%run_scoped3A : memref<!tpu.dma_semaphore, #tpu.memory_space<semaphore_mem>>)
      %dma_wait3A_35 = arith.constant 0 : i32
      %dma_wait3A_36 = arith.constant 0 : i32
      %dma_wait3A_37 = tpu.memref_slice %arg5[%add3A, %dma_wait3A_35, %dma_wait3A_36] : memref<32x250x80xi32, #tpu.memory_space<hbm>> -> memref<1x250x80xi32, #tpu.memory_space<hbm>>
      %dma_wait3A_38 = tpu.memref_squeeze %dma_wait3A_37 : memref<1x250x80xi32, #tpu.memory_space<hbm>> -> memref<250x80xi32, #tpu.memory_space<hbm>>
      %dma_wait3A_39 = arith.constant 0 : i32
      %dma_wait3A_40 = arith.constant 0 : i32
      %dma_wait3A_41 = tpu.memref_slice %arg5[%add3A, %dma_wait3A_39, %dma_wait3A_40] : memref<32x250x80xi32, #tpu.memory_space<hbm>> -> memref<1x250x80xi32, #tpu.memory_space<hbm>>
      %dma_wait3A_42 = tpu.memref_squeeze %dma_wait3A_41 : memref<1x250x80xi32, #tpu.memory_space<hbm>> -> memref<250x80xi32, #tpu.memory_space<hbm>>
      tpu.wait_dma2 semaphore(%run_scoped3A : memref<!tpu.dma_semaphore, #tpu.memory_space<semaphore_mem>>) src(%dma_wait3A_42 : memref<250x80xi32, #tpu.memory_space<hbm>>) dst(%arg8 : memref<250x80xi32, #tpu.memory_space<vmem>>)
      tpu.yield
    }) : () -> ()
    %mul3A_1 = arith.constant 2 : i32
    %mul3A_2 = arith.muli %mul3A_1, %add3A : i32
    %mul3A_3 = arith.constant 10000 : i32
    %mul3A_4 = arith.muli %mul3A_2, %mul3A_3 : i32
    %dma_start3A = arith.constant 0 : i32
    %dma_start3A_5 = arith.constant 0 : i32
    %dma_start3A_6 = tpu.memref_slice %arg7[%dma_start3A, %dma_start3A_5] : memref<250x80xi32, #tpu.memory_space<vmem>> -> memref<1x80xi32, #tpu.memory_space<vmem>>
    %dma_start3A_7 = tpu.memref_squeeze %dma_start3A_6 : memref<1x80xi32, #tpu.memory_space<vmem>> -> memref<80xi32, #tpu.memory_space<vmem>>
    %dma_start3A_8 = arith.constant 0 : i32
    %dma_start3A_9 = arith.constant 0 : i32
    %dma_start3A_10 = tpu.memref_slice %arg2[%dma_start3A_8, %dma_start3A_9] : memref<20000x128xf32, #tpu.memory_space<hbm>> -> memref<20000x128xf32, #tpu.memory_space<hbm>>
    tpu.enqueue_indirect_dma source(%dma_start3A_10 : memref<20000x128xf32, #tpu.memory_space<hbm>>) target(%arg9 : memref<80x128xf32, #tpu.memory_space<vmem>>) offsets(%dma_start3A_7 : memref<80xi32, #tpu.memory_space<vmem>>) semaphore(%arg13 : memref<!tpu.dma_semaphore, #tpu.memory_space<semaphore_mem>>)
    %dma_start3A_11 = arith.constant 0 : i32
    %dma_start3A_12 = arith.constant 0 : i32
    %dma_start3A_13 = tpu.memref_slice %arg8[%dma_start3A_11, %dma_start3A_12] : memref<250x80xi32, #tpu.memory_space<vmem>> -> memref<1x80xi32, #tpu.memory_space<vmem>>
    %dma_start3A_14 = tpu.memref_squeeze %dma_start3A_13 : memref<1x80xi32, #tpu.memory_space<vmem>> -> memref<80xi32, #tpu.memory_space<vmem>>
    %dma_start3A_15 = arith.constant 0 : i32
    %dma_start3A_16 = arith.constant 0 : i32
    %dma_start3A_17 = tpu.memref_slice %arg3[%dma_start3A_15, %dma_start3A_16] : memref<20000x128xf32, #tpu.memory_space<hbm>> -> memref<20000x128xf32, #tpu.memory_space<hbm>>
    tpu.enqueue_indirect_dma source(%dma_start3A_17 : memref<20000x128xf32, #tpu.memory_space<hbm>>) target(%arg10 : memref<80x128xf32, #tpu.memory_space<vmem>>) offsets(%dma_start3A_14 : memref<80xi32, #tpu.memory_space<vmem>>) semaphore(%arg13 : memref<!tpu.dma_semaphore, #tpu.memory_space<semaphore_mem>>)
    %scan3A = arith.constant 0 : i32
    %scan3A_18 = arith.constant 125 : i32
    %scan3A_19 = arith.addi %scan3A, %scan3A_18 : i32
    %scan3A_20 = arith.constant 1 : i32
    scf.for %scan3A_27 = %scan3A to %scan3A_19 step %scan3A_20  : i32 {
      %mul3A_28 = arith.constant 2 : i32
      %mul3A_29 = arith.muli %mul3A_28, %scan3A_27 : i32
      %add3A_30 = arith.constant 1 : i32
      %add3A_31 = arith.addi %mul3A_29, %add3A_30 : i32
      %gt3A = arith.constant 0 : i32
      %gt3A_32 = arith.cmpi sgt, %scan3A_27, %gt3A : i32
      %convert_element_type3A = arith.extui %gt3A_32 : i1 to i32
      %cond3A = arith.constant 0 : i32
      %cond3A_33 = arith.cmpi ne, %convert_element_type3A, %cond3A : i32
      scf.if %cond3A_33 {
        %dma_wait3A_102 = arith.constant 0 : i32
        %dma_wait3A_103 = arith.constant 0 : i32
        %dma_wait3A_104 = tpu.memref_slice %arg6[%dma_wait3A_102, %dma_wait3A_103] : memref<640000x128xf32, #tpu.memory_space<hbm>> -> memref<80x128xf32, #tpu.memory_space<hbm>>
        %dma_wait3A_105 = arith.constant 0 : i32
        %dma_wait3A_106 = arith.constant 0 : i32
        %dma_wait3A_107 = tpu.memref_slice %arg6[%dma_wait3A_105, %dma_wait3A_106] : memref<640000x128xf32, #tpu.memory_space<hbm>> -> memref<80x128xf32, #tpu.memory_space<hbm>>
        tpu.wait_dma2 semaphore(%arg16 : memref<!tpu.dma_semaphore, #tpu.memory_space<semaphore_mem>>) src(%arg11 : memref<80x128xf32, #tpu.memory_space<vmem>>) dst(%dma_wait3A_107 : memref<80x128xf32, #tpu.memory_space<hbm>>)
      } else {
      }
      %dma_start3A_34 = arith.constant 0 : i32
      %dma_start3A_35 = tpu.memref_slice %arg7[%add3A_31, %dma_start3A_34] : memref<250x80xi32, #tpu.memory_space<vmem>> -> memref<1x80xi32, #tpu.memory_space<vmem>>
      %dma_start3A_36 = tpu.memref_squeeze %dma_start3A_35 : memref<1x80xi32, #tpu.memory_space<vmem>> -> memref<80xi32, #tpu.memory_space<vmem>>
      %dma_start3A_37 = arith.constant 0 : i32
      %dma_start3A_38 = arith.constant 0 : i32
      %dma_start3A_39 = tpu.memref_slice %arg2[%dma_start3A_37, %dma_start3A_38] : memref<20000x128xf32, #tpu.memory_space<hbm>> -> memref<20000x128xf32, #tpu.memory_space<hbm>>
      tpu.enqueue_indirect_dma source(%dma_start3A_39 : memref<20000x128xf32, #tpu.memory_space<hbm>>) target(%arg11 : memref<80x128xf32, #tpu.memory_space<vmem>>) offsets(%dma_start3A_36 : memref<80xi32, #tpu.memory_space<vmem>>) semaphore(%arg14 : memref<!tpu.dma_semaphore, #tpu.memory_space<semaphore_mem>>)
      %dma_start3A_40 = arith.constant 0 : i32
      %dma_start3A_41 = tpu.memref_slice %arg8[%add3A_31, %dma_start3A_40] : memref<250x80xi32, #tpu.memory_space<vmem>> -> memref<1x80xi32, #tpu.memory_space<vmem>>
      %dma_start3A_42 = tpu.memref_squeeze %dma_start3A_41 : memref<1x80xi32, #tpu.memory_space<vmem>> -> memref<80xi32, #tpu.memory_space<vmem>>
      %dma_start3A_43 = arith.constant 0 : i32
      %dma_start3A_44 = arith.constant 0 : i32
      %dma_start3A_45 = tpu.memref_slice %arg3[%dma_start3A_43, %dma_start3A_44] : memref<20000x128xf32, #tpu.memory_space<hbm>> -> memref<20000x128xf32, #tpu.memory_space<hbm>>
      tpu.enqueue_indirect_dma source(%dma_start3A_45 : memref<20000x128xf32, #tpu.memory_space<hbm>>) target(%arg12 : memref<80x128xf32, #tpu.memory_space<vmem>>) offsets(%dma_start3A_42 : memref<80xi32, #tpu.memory_space<vmem>>) semaphore(%arg14 : memref<!tpu.dma_semaphore, #tpu.memory_space<semaphore_mem>>)
      %dma_wait3A_46 = arith.constant 0 : i32
      %dma_wait3A_47 = arith.constant 0 : i32
      %dma_wait3A_48 = tpu.memref_slice %arg2[%dma_wait3A_46, %dma_wait3A_47] : memref<20000x128xf32, #tpu.memory_space<hbm>> -> memref<80x128xf32, #tpu.memory_space<hbm>>
      %dma_wait3A_49 = arith.constant 0 : i32
      %dma_wait3A_50 = arith.constant 0 : i32
      %dma_wait3A_51 = tpu.memref_slice %arg2[%dma_wait3A_49, %dma_wait3A_50] : memref<20000x128xf32, #tpu.memory_space<hbm>> -> memref<80x128xf32, #tpu.memory_space<hbm>>
      tpu.wait_dma2 semaphore(%arg13 : memref<!tpu.dma_semaphore, #tpu.memory_space<semaphore_mem>>) src(%dma_wait3A_51 : memref<80x128xf32, #tpu.memory_space<hbm>>) dst(%arg9 : memref<80x128xf32, #tpu.memory_space<vmem>>)
      %dma_wait3A_52 = arith.constant 0 : i32
      %dma_wait3A_53 = arith.constant 0 : i32
      %dma_wait3A_54 = tpu.memref_slice %arg2[%dma_wait3A_52, %dma_wait3A_53] : memref<20000x128xf32, #tpu.memory_space<hbm>> -> memref<80x128xf32, #tpu.memory_space<hbm>>
      %dma_wait3A_55 = arith.constant 0 : i32
      %dma_wait3A_56 = arith.constant 0 : i32
      %dma_wait3A_57 = tpu.memref_slice %arg2[%dma_wait3A_55, %dma_wait3A_56] : memref<20000x128xf32, #tpu.memory_space<hbm>> -> memref<80x128xf32, #tpu.memory_space<hbm>>
      tpu.wait_dma2 semaphore(%arg13 : memref<!tpu.dma_semaphore, #tpu.memory_space<semaphore_mem>>) src(%dma_wait3A_57 : memref<80x128xf32, #tpu.memory_space<hbm>>) dst(%arg10 : memref<80x128xf32, #tpu.memory_space<vmem>>)
      %scan3A_58 = arith.constant 0 : i32
      %scan3A_59 = arith.constant 80 : i32
      %scan3A_60 = arith.addi %scan3A_58, %scan3A_59 : i32
      %scan3A_61 = arith.constant 1 : i32
      scf.for %scan3A_102 = %scan3A_58 to %scan3A_60 step %scan3A_61  : i32 {
        %get3A = arith.index_cast %scan3A_102 : i32 to index
        %get3A_103 = arith.constant 0 : index
        %get3A_104 = tpu.vector_load %arg9[%get3A, %get3A_103] {strides = array<i32>} : memref<80x128xf32, #tpu.memory_space<vmem>>, vector<1x16xf32>,
        %get3A_105 = vector.shape_cast %get3A_104 : vector<1x16xf32> to vector<16xf32>
        %get3A_106 = arith.index_cast %scan3A_102 : i32 to index
        %get3A_107 = arith.constant 0 : index
        %get3A_108 = tpu.vector_load %arg10[%get3A_106, %get3A_107] {strides = array<i32>} : memref<80x128xf32, #tpu.memory_space<vmem>>, vector<1x16xf32>,
        %get3A_109 = vector.shape_cast %get3A_108 : vector<1x16xf32> to vector<16xf32>
        %add3A_110 = arith.addf %get3A_105, %get3A_109 : vector<16xf32>
        %swap3A = arith.index_cast %scan3A_102 : i32 to index
        %swap3A_111 = arith.constant 0 : index
        %swap3A_112 = tpu.vector_load %arg9[%swap3A, %swap3A_111] {strides = array<i32>} : memref<80x128xf32, #tpu.memory_space<vmem>>, vector<1x16xf32>,
        %swap3A_113 = vector.shape_cast %swap3A_112 : vector<1x16xf32> to vector<16xf32>
        %swap3A_114 = vector.shape_cast %add3A_110 : vector<16xf32> to vector<1x16xf32>
        tpu.vector_store %arg9[%swap3A, %swap3A_111], %swap3A_114 {strides = array<i32>} : memref<80x128xf32, #tpu.memory_space<vmem>>, vector<1x16xf32>,
        %get3A_115 = arith.index_cast %scan3A_102 : i32 to index
        %get3A_116 = arith.constant 16 : index
        %get3A_117 = tpu.vector_load %arg9[%get3A_115, %get3A_116] {strides = array<i32>} : memref<80x128xf32, #tpu.memory_space<vmem>>, vector<1x16xf32>,
        %get3A_118 = vector.shape_cast %get3A_117 : vector<1x16xf32> to vector<16xf32>
        %get3A_119 = arith.index_cast %scan3A_102 : i32 to index
        %get3A_120 = arith.constant 16 : index
        %get3A_121 = tpu.vector_load %arg10[%get3A_119, %get3A_120] {strides = array<i32>} : memref<80x128xf32, #tpu.memory_space<vmem>>, vector<1x16xf32>,
        %get3A_122 = vector.shape_cast %get3A_121 : vector<1x16xf32> to vector<16xf32>
        %add3A_123 = arith.addf %get3A_118, %get3A_122 : vector<16xf32>
        %swap3A_124 = arith.index_cast %scan3A_102 : i32 to index
        %swap3A_125 = arith.constant 16 : index
        %swap3A_126 = tpu.vector_load %arg9[%swap3A_124, %swap3A_125] {strides = array<i32>} : memref<80x128xf32, #tpu.memory_space<vmem>>, vector<1x16xf32>,
        %swap3A_127 = vector.shape_cast %swap3A_126 : vector<1x16xf32> to vector<16xf32>
        %swap3A_128 = vector.shape_cast %add3A_123 : vector<16xf32> to vector<1x16xf32>
        tpu.vector_store %arg9[%swap3A_124, %swap3A_125], %swap3A_128 {strides = array<i32>} : memref<80x128xf32, #tpu.memory_space<vmem>>, vector<1x16xf32>,
        %get3A_129 = arith.index_cast %scan3A_102 : i32 to index
        %get3A_130 = arith.constant 32 : index
        %get3A_131 = tpu.vector_load %arg9[%get3A_129, %get3A_130] {strides = array<i32>} : memref<80x128xf32, #tpu.memory_space<vmem>>, vector<1x16xf32>,
        %get3A_132 = vector.shape_cast %get3A_131 : vector<1x16xf32> to vector<16xf32>
        %get3A_133 = arith.index_cast %scan3A_102 : i32 to index
        %get3A_134 = arith.constant 32 : index
        %get3A_135 = tpu.vector_load %arg10[%get3A_133, %get3A_134] {strides = array<i32>} : memref<80x128xf32, #tpu.memory_space<vmem>>, vector<1x16xf32>,
        %get3A_136 = vector.shape_cast %get3A_135 : vector<1x16xf32> to vector<16xf32>
        %add3A_137 = arith.addf %get3A_132, %get3A_136 : vector<16xf32>
        %swap3A_138 = arith.index_cast %scan3A_102 : i32 to index
        %swap3A_139 = arith.constant 32 : index
        %swap3A_140 = tpu.vector_load %arg9[%swap3A_138, %swap3A_139] {strides = array<i32>} : memref<80x128xf32, #tpu.memory_space<vmem>>, vector<1x16xf32>,
        %swap3A_141 = vector.shape_cast %swap3A_140 : vector<1x16xf32> to vector<16xf32>
        %swap3A_142 = vector.shape_cast %add3A_137 : vector<16xf32> to vector<1x16xf32>
        tpu.vector_store %arg9[%swap3A_138, %swap3A_139], %swap3A_142 {strides = array<i32>} : memref<80x128xf32, #tpu.memory_space<vmem>>, vector<1x16xf32>,
        %get3A_143 = arith.index_cast %scan3A_102 : i32 to index
        %get3A_144 = arith.constant 48 : index
        %get3A_145 = tpu.vector_load %arg9[%get3A_143, %get3A_144] {strides = array<i32>} : memref<80x128xf32, #tpu.memory_space<vmem>>, vector<1x16xf32>,
        %get3A_146 = vector.shape_cast %get3A_145 : vector<1x16xf32> to vector<16xf32>
        %get3A_147 = arith.index_cast %scan3A_102 : i32 to index
        %get3A_148 = arith.constant 48 : index
        %get3A_149 = tpu.vector_load %arg10[%get3A_147, %get3A_148] {strides = array<i32>} : memref<80x128xf32, #tpu.memory_space<vmem>>, vector<1x16xf32>,
        %get3A_150 = vector.shape_cast %get3A_149 : vector<1x16xf32> to vector<16xf32>
        %add3A_151 = arith.addf %get3A_146, %get3A_150 : vector<16xf32>
        %swap3A_152 = arith.index_cast %scan3A_102 : i32 to index
        %swap3A_153 = arith.constant 48 : index
        %swap3A_154 = tpu.vector_load %arg9[%swap3A_152, %swap3A_153] {strides = array<i32>} : memref<80x128xf32, #tpu.memory_space<vmem>>, vector<1x16xf32>,
        %swap3A_155 = vector.shape_cast %swap3A_154 : vector<1x16xf32> to vector<16xf32>
        %swap3A_156 = vector.shape_cast %add3A_151 : vector<16xf32> to vector<1x16xf32>
        tpu.vector_store %arg9[%swap3A_152, %swap3A_153], %swap3A_156 {strides = array<i32>} : memref<80x128xf32, #tpu.memory_space<vmem>>, vector<1x16xf32>,
        %get3A_157 = arith.index_cast %scan3A_102 : i32 to index
        %get3A_158 = arith.constant 64 : index
        %get3A_159 = tpu.vector_load %arg9[%get3A_157, %get3A_158] {strides = array<i32>} : memref<80x128xf32, #tpu.memory_space<vmem>>, vector<1x16xf32>,
        %get3A_160 = vector.shape_cast %get3A_159 : vector<1x16xf32> to vector<16xf32>
        %get3A_161 = arith.index_cast %scan3A_102 : i32 to index
        %get3A_162 = arith.constant 64 : index
        %get3A_163 = tpu.vector_load %arg10[%get3A_161, %get3A_162] {strides = array<i32>} : memref<80x128xf32, #tpu.memory_space<vmem>>, vector<1x16xf32>,
        %get3A_164 = vector.shape_cast %get3A_163 : vector<1x16xf32> to vector<16xf32>
        %add3A_165 = arith.addf %get3A_160, %get3A_164 : vector<16xf32>
        %swap3A_166 = arith.index_cast %scan3A_102 : i32 to index
        %swap3A_167 = arith.constant 64 : index
        %swap3A_168 = tpu.vector_load %arg9[%swap3A_166, %swap3A_167] {strides = array<i32>} : memref<80x128xf32, #tpu.memory_space<vmem>>, vector<1x16xf32>,
        %swap3A_169 = vector.shape_cast %swap3A_168 : vector<1x16xf32> to vector<16xf32>
        %swap3A_170 = vector.shape_cast %add3A_165 : vector<16xf32> to vector<1x16xf32>
        tpu.vector_store %arg9[%swap3A_166, %swap3A_167], %swap3A_170 {strides = array<i32>} : memref<80x128xf32, #tpu.memory_space<vmem>>, vector<1x16xf32>,
        %get3A_171 = arith.index_cast %scan3A_102 : i32 to index
        %get3A_172 = arith.constant 80 : index
        %get3A_173 = tpu.vector_load %arg9[%get3A_171, %get3A_172] {strides = array<i32>} : memref<80x128xf32, #tpu.memory_space<vmem>>, vector<1x16xf32>,
        %get3A_174 = vector.shape_cast %get3A_173 : vector<1x16xf32> to vector<16xf32>
        %get3A_175 = arith.index_cast %scan3A_102 : i32 to index
        %get3A_176 = arith.constant 80 : index
        %get3A_177 = tpu.vector_load %arg10[%get3A_175, %get3A_176] {strides = array<i32>} : memref<80x128xf32, #tpu.memory_space<vmem>>, vector<1x16xf32>,
        %get3A_178 = vector.shape_cast %get3A_177 : vector<1x16xf32> to vector<16xf32>
        %add3A_179 = arith.addf %get3A_174, %get3A_178 : vector<16xf32>
        %swap3A_180 = arith.index_cast %scan3A_102 : i32 to index
        %swap3A_181 = arith.constant 80 : index
        %swap3A_182 = tpu.vector_load %arg9[%swap3A_180, %swap3A_181] {strides = array<i32>} : memref<80x128xf32, #tpu.memory_space<vmem>>, vector<1x16xf32>,
        %swap3A_183 = vector.shape_cast %swap3A_182 : vector<1x16xf32> to vector<16xf32>
        %swap3A_184 = vector.shape_cast %add3A_179 : vector<16xf32> to vector<1x16xf32>
        tpu.vector_store %arg9[%swap3A_180, %swap3A_181], %swap3A_184 {strides = array<i32>} : memref<80x128xf32, #tpu.memory_space<vmem>>, vector<1x16xf32>,
        %get3A_185 = arith.index_cast %scan3A_102 : i32 to index
        %get3A_186 = arith.constant 96 : index
        %get3A_187 = tpu.vector_load %arg9[%get3A_185, %get3A_186] {strides = array<i32>} : memref<80x128xf32, #tpu.memory_space<vmem>>, vector<1x16xf32>,
        %get3A_188 = vector.shape_cast %get3A_187 : vector<1x16xf32> to vector<16xf32>
        %get3A_189 = arith.index_cast %scan3A_102 : i32 to index
        %get3A_190 = arith.constant 96 : index
        %get3A_191 = tpu.vector_load %arg10[%get3A_189, %get3A_190] {strides = array<i32>} : memref<80x128xf32, #tpu.memory_space<vmem>>, vector<1x16xf32>,
        %get3A_192 = vector.shape_cast %get3A_191 : vector<1x16xf32> to vector<16xf32>
        %add3A_193 = arith.addf %get3A_188, %get3A_192 : vector<16xf32>
        %swap3A_194 = arith.index_cast %scan3A_102 : i32 to index
        %swap3A_195 = arith.constant 96 : index
        %swap3A_196 = tpu.vector_load %arg9[%swap3A_194, %swap3A_195] {strides = array<i32>} : memref<80x128xf32, #tpu.memory_space<vmem>>, vector<1x16xf32>,
        %swap3A_197 = vector.shape_cast %swap3A_196 : vector<1x16xf32> to vector<16xf32>
        %swap3A_198 = vector.shape_cast %add3A_193 : vector<16xf32> to vector<1x16xf32>
        tpu.vector_store %arg9[%swap3A_194, %swap3A_195], %swap3A_198 {strides = array<i32>} : memref<80x128xf32, #tpu.memory_space<vmem>>, vector<1x16xf32>,
        %get3A_199 = arith.index_cast %scan3A_102 : i32 to index
        %get3A_200 = arith.constant 112 : index
        %get3A_201 = tpu.vector_load %arg9[%get3A_199, %get3A_200] {strides = array<i32>} : memref<80x128xf32, #tpu.memory_space<vmem>>, vector<1x16xf32>,
        %get3A_202 = vector.shape_cast %get3A_201 : vector<1x16xf32> to vector<16xf32>
        %get3A_203 = arith.index_cast %scan3A_102 : i32 to index
        %get3A_204 = arith.constant 112 : index
        %get3A_205 = tpu.vector_load %arg10[%get3A_203, %get3A_204] {strides = array<i32>} : memref<80x128xf32, #tpu.memory_space<vmem>>, vector<1x16xf32>,
        %get3A_206 = vector.shape_cast %get3A_205 : vector<1x16xf32> to vector<16xf32>
        %add3A_207 = arith.addf %get3A_202, %get3A_206 : vector<16xf32>
        %swap3A_208 = arith.index_cast %scan3A_102 : i32 to index
        %swap3A_209 = arith.constant 112 : index
        %swap3A_210 = tpu.vector_load %arg9[%swap3A_208, %swap3A_209] {strides = array<i32>} : memref<80x128xf32, #tpu.memory_space<vmem>>, vector<1x16xf32>,
        %swap3A_211 = vector.shape_cast %swap3A_210 : vector<1x16xf32> to vector<16xf32>
        %swap3A_212 = vector.shape_cast %add3A_207 : vector<16xf32> to vector<1x16xf32>
        tpu.vector_store %arg9[%swap3A_208, %swap3A_209], %swap3A_212 {strides = array<i32>} : memref<80x128xf32, #tpu.memory_space<vmem>>, vector<1x16xf32>,
      }
      %scan3A_62 = arith.constant 80 : i32
      %mul3A_63 = arith.constant 80 : i32
      %mul3A_64 = arith.muli %mul3A_29, %mul3A_63 : i32
      %add3A_65 = arith.addi %mul3A_4, %mul3A_64 : i32
      %dma_start3A_66 = arith.constant 0 : i32
      %dma_start3A_67 = tpu.memref_slice %arg6[%add3A_65, %dma_start3A_66] : memref<640000x128xf32, #tpu.memory_space<hbm>> -> memref<80x128xf32, #tpu.memory_space<hbm>>
      %dma_start3A_68 = arith.constant 0 : i32
      %dma_start3A_69 = tpu.memref_slice %arg6[%add3A_65, %dma_start3A_68] : memref<640000x128xf32, #tpu.memory_space<hbm>> -> memref<80x128xf32, #tpu.memory_space<hbm>>
      tpu.enqueue_dma source(%arg9 : memref<80x128xf32, #tpu.memory_space<vmem>>) target(%dma_start3A_69 : memref<80x128xf32, #tpu.memory_space<hbm>>) target_semaphore(%arg15 : memref<!tpu.dma_semaphore, #tpu.memory_space<semaphore_mem>>)
      %dma_wait3A_70 = arith.constant 0 : i32
      %dma_wait3A_71 = arith.constant 0 : i32
      %dma_wait3A_72 = tpu.memref_slice %arg2[%dma_wait3A_70, %dma_wait3A_71] : memref<20000x128xf32, #tpu.memory_space<hbm>> -> memref<80x128xf32, #tpu.memory_space<hbm>>
      %dma_wait3A_73 = arith.constant 0 : i32
      %dma_wait3A_74 = arith.constant 0 : i32
      %dma_wait3A_75 = tpu.memref_slice %arg2[%dma_wait3A_73, %dma_wait3A_74] : memref<20000x128xf32, #tpu.memory_space<hbm>> -> memref<80x128xf32, #tpu.memory_space<hbm>>
      tpu.wait_dma2 semaphore(%arg14 : memref<!tpu.dma_semaphore, #tpu.memory_space<semaphore_mem>>) src(%dma_wait3A_75 : memref<80x128xf32, #tpu.memory_space<hbm>>) dst(%arg11 : memref<80x128xf32, #tpu.memory_space<vmem>>)
      %dma_wait3A_76 = arith.constant 0 : i32
      %dma_wait3A_77 = arith.constant 0 : i32
      %dma_wait3A_78 = tpu.memref_slice %arg2[%dma_wait3A_76, %dma_wait3A_77] : memref<20000x128xf32, #tpu.memory_space<hbm>> -> memref<80x128xf32, #tpu.memory_space<hbm>>
      %dma_wait3A_79 = arith.constant 0 : i32
      %dma_wait3A_80 = arith.constant 0 : i32
      %dma_wait3A_81 = tpu.memref_slice %arg2[%dma_wait3A_79, %dma_wait3A_80] : memref<20000x128xf32, #tpu.memory_space<hbm>> -> memref<80x128xf32, #tpu.memory_space<hbm>>
      tpu.wait_dma2 semaphore(%arg14 : memref<!tpu.dma_semaphore, #tpu.memory_space<semaphore_mem>>) src(%dma_wait3A_81 : memref<80x128xf32, #tpu.memory_space<hbm>>) dst(%arg12 : memref<80x128xf32, #tpu.memory_space<vmem>>)
      %scan3A_82 = arith.constant 0 : i32
      %scan3A_83 = arith.constant 80 : i32
      %scan3A_84 = arith.addi %scan3A_82, %scan3A_83 : i32
      %scan3A_85 = arith.constant 1 : i32
      scf.for %scan3A_102 = %scan3A_82 to %scan3A_84 step %scan3A_85  : i32 {
        %get3A = arith.index_cast %scan3A_102 : i32 to index
        %get3A_103 = arith.constant 0 : index
        %get3A_104 = tpu.vector_load %arg11[%get3A, %get3A_103] {strides = array<i32>} : memref<80x128xf32, #tpu.memory_space<vmem>>, vector<1x16xf32>,
        %get3A_105 = vector.shape_cast %get3A_104 : vector<1x16xf32> to vector<16xf32>
        %get3A_106 = arith.index_cast %scan3A_102 : i32 to index
        %get3A_107 = arith.constant 0 : index
        %get3A_108 = tpu.vector_load %arg12[%get3A_106, %get3A_107] {strides = array<i32>} : memref<80x128xf32, #tpu.memory_space<vmem>>, vector<1x16xf32>,
        %get3A_109 = vector.shape_cast %get3A_108 : vector<1x16xf32> to vector<16xf32>
        %add3A_110 = arith.addf %get3A_105, %get3A_109 : vector<16xf32>
        %swap3A = arith.index_cast %scan3A_102 : i32 to index
        %swap3A_111 = arith.constant 0 : index
        %swap3A_112 = tpu.vector_load %arg11[%swap3A, %swap3A_111] {strides = array<i32>} : memref<80x128xf32, #tpu.memory_space<vmem>>, vector<1x16xf32>,
        %swap3A_113 = vector.shape_cast %swap3A_112 : vector<1x16xf32> to vector<16xf32>
        %swap3A_114 = vector.shape_cast %add3A_110 : vector<16xf32> to vector<1x16xf32>
        tpu.vector_store %arg11[%swap3A, %swap3A_111], %swap3A_114 {strides = array<i32>} : memref<80x128xf32, #tpu.memory_space<vmem>>, vector<1x16xf32>,
        %get3A_115 = arith.index_cast %scan3A_102 : i32 to index
        %get3A_116 = arith.constant 16 : index
        %get3A_117 = tpu.vector_load %arg11[%get3A_115, %get3A_116] {strides = array<i32>} : memref<80x128xf32, #tpu.memory_space<vmem>>, vector<1x16xf32>,
        %get3A_118 = vector.shape_cast %get3A_117 : vector<1x16xf32> to vector<16xf32>
        %get3A_119 = arith.index_cast %scan3A_102 : i32 to index
        %get3A_120 = arith.constant 16 : index
        %get3A_121 = tpu.vector_load %arg12[%get3A_119, %get3A_120] {strides = array<i32>} : memref<80x128xf32, #tpu.memory_space<vmem>>, vector<1x16xf32>,
        %get3A_122 = vector.shape_cast %get3A_121 : vector<1x16xf32> to vector<16xf32>
        %add3A_123 = arith.addf %get3A_118, %get3A_122 : vector<16xf32>
        %swap3A_124 = arith.index_cast %scan3A_102 : i32 to index
        %swap3A_125 = arith.constant 16 : index
        %swap3A_126 = tpu.vector_load %arg11[%swap3A_124, %swap3A_125] {strides = array<i32>} : memref<80x128xf32, #tpu.memory_space<vmem>>, vector<1x16xf32>,
        %swap3A_127 = vector.shape_cast %swap3A_126 : vector<1x16xf32> to vector<16xf32>
        %swap3A_128 = vector.shape_cast %add3A_123 : vector<16xf32> to vector<1x16xf32>
        tpu.vector_store %arg11[%swap3A_124, %swap3A_125], %swap3A_128 {strides = array<i32>} : memref<80x128xf32, #tpu.memory_space<vmem>>, vector<1x16xf32>,
        %get3A_129 = arith.index_cast %scan3A_102 : i32 to index
        %get3A_130 = arith.constant 32 : index
        %get3A_131 = tpu.vector_load %arg11[%get3A_129, %get3A_130] {strides = array<i32>} : memref<80x128xf32, #tpu.memory_space<vmem>>, vector<1x16xf32>,
        %get3A_132 = vector.shape_cast %get3A_131 : vector<1x16xf32> to vector<16xf32>
        %get3A_133 = arith.index_cast %scan3A_102 : i32 to index
        %get3A_134 = arith.constant 32 : index
        %get3A_135 = tpu.vector_load %arg12[%get3A_133, %get3A_134] {strides = array<i32>} : memref<80x128xf32, #tpu.memory_space<vmem>>, vector<1x16xf32>,
        %get3A_136 = vector.shape_cast %get3A_135 : vector<1x16xf32> to vector<16xf32>
        %add3A_137 = arith.addf %get3A_132, %get3A_136 : vector<16xf32>
        %swap3A_138 = arith.index_cast %scan3A_102 : i32 to index
        %swap3A_139 = arith.constant 32 : index
        %swap3A_140 = tpu.vector_load %arg11[%swap3A_138, %swap3A_139] {strides = array<i32>} : memref<80x128xf32, #tpu.memory_space<vmem>>, vector<1x16xf32>,
        %swap3A_141 = vector.shape_cast %swap3A_140 : vector<1x16xf32> to vector<16xf32>
        %swap3A_142 = vector.shape_cast %add3A_137 : vector<16xf32> to vector<1x16xf32>
        tpu.vector_store %arg11[%swap3A_138, %swap3A_139], %swap3A_142 {strides = array<i32>} : memref<80x128xf32, #tpu.memory_space<vmem>>, vector<1x16xf32>,
        %get3A_143 = arith.index_cast %scan3A_102 : i32 to index
        %get3A_144 = arith.constant 48 : index
        %get3A_145 = tpu.vector_load %arg11[%get3A_143, %get3A_144] {strides = array<i32>} : memref<80x128xf32, #tpu.memory_space<vmem>>, vector<1x16xf32>,
        %get3A_146 = vector.shape_cast %get3A_145 : vector<1x16xf32> to vector<16xf32>
        %get3A_147 = arith.index_cast %scan3A_102 : i32 to index
        %get3A_148 = arith.constant 48 : index
        %get3A_149 = tpu.vector_load %arg12[%get3A_147, %get3A_148] {strides = array<i32>} : memref<80x128xf32, #tpu.memory_space<vmem>>, vector<1x16xf32>,
        %get3A_150 = vector.shape_cast %get3A_149 : vector<1x16xf32> to vector<16xf32>
        %add3A_151 = arith.addf %get3A_146, %get3A_150 : vector<16xf32>
        %swap3A_152 = arith.index_cast %scan3A_102 : i32 to index
        %swap3A_153 = arith.constant 48 : index
        %swap3A_154 = tpu.vector_load %arg11[%swap3A_152, %swap3A_153] {strides = array<i32>} : memref<80x128xf32, #tpu.memory_space<vmem>>, vector<1x16xf32>,
        %swap3A_155 = vector.shape_cast %swap3A_154 : vector<1x16xf32> to vector<16xf32>
        %swap3A_156 = vector.shape_cast %add3A_151 : vector<16xf32> to vector<1x16xf32>
        tpu.vector_store %arg11[%swap3A_152, %swap3A_153], %swap3A_156 {strides = array<i32>} : memref<80x128xf32, #tpu.memory_space<vmem>>, vector<1x16xf32>,
        %get3A_157 = arith.index_cast %scan3A_102 : i32 to index
        %get3A_158 = arith.constant 64 : index
        %get3A_159 = tpu.vector_load %arg11[%get3A_157, %get3A_158] {strides = array<i32>} : memref<80x128xf32, #tpu.memory_space<vmem>>, vector<1x16xf32>,
        %get3A_160 = vector.shape_cast %get3A_159 : vector<1x16xf32> to vector<16xf32>
        %get3A_161 = arith.index_cast %scan3A_102 : i32 to index
        %get3A_162 = arith.constant 64 : index
        %get3A_163 = tpu.vector_load %arg12[%get3A_161, %get3A_162] {strides = array<i32>} : memref<80x128xf32, #tpu.memory_space<vmem>>, vector<1x16xf32>,
        %get3A_164 = vector.shape_cast %get3A_163 : vector<1x16xf32> to vector<16xf32>
        %add3A_165 = arith.addf %get3A_160, %get3A_164 : vector<16xf32>
        %swap3A_166 = arith.index_cast %scan3A_102 : i32 to index
        %swap3A_167 = arith.constant 64 : index
        %swap3A_168 = tpu.vector_load %arg11[%swap3A_166, %swap3A_167] {strides = array<i32>} : memref<80x128xf32, #tpu.memory_space<vmem>>, vector<1x16xf32>,
        %swap3A_169 = vector.shape_cast %swap3A_168 : vector<1x16xf32> to vector<16xf32>
        %swap3A_170 = vector.shape_cast %add3A_165 : vector<16xf32> to vector<1x16xf32>
        tpu.vector_store %arg11[%swap3A_166, %swap3A_167], %swap3A_170 {strides = array<i32>} : memref<80x128xf32, #tpu.memory_space<vmem>>, vector<1x16xf32>,
        %get3A_171 = arith.index_cast %scan3A_102 : i32 to index
        %get3A_172 = arith.constant 80 : index
        %get3A_173 = tpu.vector_load %arg11[%get3A_171, %get3A_172] {strides = array<i32>} : memref<80x128xf32, #tpu.memory_space<vmem>>, vector<1x16xf32>,
        %get3A_174 = vector.shape_cast %get3A_173 : vector<1x16xf32> to vector<16xf32>
        %get3A_175 = arith.index_cast %scan3A_102 : i32 to index
        %get3A_176 = arith.constant 80 : index
        %get3A_177 = tpu.vector_load %arg12[%get3A_175, %get3A_176] {strides = array<i32>} : memref<80x128xf32, #tpu.memory_space<vmem>>, vector<1x16xf32>,
        %get3A_178 = vector.shape_cast %get3A_177 : vector<1x16xf32> to vector<16xf32>
        %add3A_179 = arith.addf %get3A_174, %get3A_178 : vector<16xf32>
        %swap3A_180 = arith.index_cast %scan3A_102 : i32 to index
        %swap3A_181 = arith.constant 80 : index
        %swap3A_182 = tpu.vector_load %arg11[%swap3A_180, %swap3A_181] {strides = array<i32>} : memref<80x128xf32, #tpu.memory_space<vmem>>, vector<1x16xf32>,
        %swap3A_183 = vector.shape_cast %swap3A_182 : vector<1x16xf32> to vector<16xf32>
        %swap3A_184 = vector.shape_cast %add3A_179 : vector<16xf32> to vector<1x16xf32>
        tpu.vector_store %arg11[%swap3A_180, %swap3A_181], %swap3A_184 {strides = array<i32>} : memref<80x128xf32, #tpu.memory_space<vmem>>, vector<1x16xf32>,
        %get3A_185 = arith.index_cast %scan3A_102 : i32 to index
        %get3A_186 = arith.constant 96 : index
        %get3A_187 = tpu.vector_load %arg11[%get3A_185, %get3A_186] {strides = array<i32>} : memref<80x128xf32, #tpu.memory_space<vmem>>, vector<1x16xf32>,
        %get3A_188 = vector.shape_cast %get3A_187 : vector<1x16xf32> to vector<16xf32>
        %get3A_189 = arith.index_cast %scan3A_102 : i32 to index
        %get3A_190 = arith.constant 96 : index
        %get3A_191 = tpu.vector_load %arg12[%get3A_189, %get3A_190] {strides = array<i32>} : memref<80x128xf32, #tpu.memory_space<vmem>>, vector<1x16xf32>,
        %get3A_192 = vector.shape_cast %get3A_191 : vector<1x16xf32> to vector<16xf32>
        %add3A_193 = arith.addf %get3A_188, %get3A_192 : vector<16xf32>
        %swap3A_194 = arith.index_cast %scan3A_102 : i32 to index
        %swap3A_195 = arith.constant 96 : index
        %swap3A_196 = tpu.vector_load %arg11[%swap3A_194, %swap3A_195] {strides = array<i32>} : memref<80x128xf32, #tpu.memory_space<vmem>>, vector<1x16xf32>,
        %swap3A_197 = vector.shape_cast %swap3A_196 : vector<1x16xf32> to vector<16xf32>
        %swap3A_198 = vector.shape_cast %add3A_193 : vector<16xf32> to vector<1x16xf32>
        tpu.vector_store %arg11[%swap3A_194, %swap3A_195], %swap3A_198 {strides = array<i32>} : memref<80x128xf32, #tpu.memory_space<vmem>>, vector<1x16xf32>,
        %get3A_199 = arith.index_cast %scan3A_102 : i32 to index
        %get3A_200 = arith.constant 112 : index
        %get3A_201 = tpu.vector_load %arg11[%get3A_199, %get3A_200] {strides = array<i32>} : memref<80x128xf32, #tpu.memory_space<vmem>>, vector<1x16xf32>,
        %get3A_202 = vector.shape_cast %get3A_201 : vector<1x16xf32> to vector<16xf32>
        %get3A_203 = arith.index_cast %scan3A_102 : i32 to index
        %get3A_204 = arith.constant 112 : index
        %get3A_205 = tpu.vector_load %arg12[%get3A_203, %get3A_204] {strides = array<i32>} : memref<80x128xf32, #tpu.memory_space<vmem>>, vector<1x16xf32>,
        %get3A_206 = vector.shape_cast %get3A_205 : vector<1x16xf32> to vector<16xf32>
        %add3A_207 = arith.addf %get3A_202, %get3A_206 : vector<16xf32>
        %swap3A_208 = arith.index_cast %scan3A_102 : i32 to index
        %swap3A_209 = arith.constant 112 : index
        %swap3A_210 = tpu.vector_load %arg11[%swap3A_208, %swap3A_209] {strides = array<i32>} : memref<80x128xf32, #tpu.memory_space<vmem>>, vector<1x16xf32>,
        %swap3A_211 = vector.shape_cast %swap3A_210 : vector<1x16xf32> to vector<16xf32>
        %swap3A_212 = vector.shape_cast %add3A_207 : vector<16xf32> to vector<1x16xf32>
        tpu.vector_store %arg11[%swap3A_208, %swap3A_209], %swap3A_212 {strides = array<i32>} : memref<80x128xf32, #tpu.memory_space<vmem>>, vector<1x16xf32>,
      }
      %scan3A_86 = arith.constant 80 : i32
      %dma_wait3A_87 = arith.constant 0 : i32
      %dma_wait3A_88 = tpu.memref_slice %arg6[%add3A_65, %dma_wait3A_87] : memref<640000x128xf32, #tpu.memory_space<hbm>> -> memref<80x128xf32, #tpu.memory_space<hbm>>
      %dma_wait3A_89 = arith.constant 0 : i32
      %dma_wait3A_90 = tpu.memref_slice %arg6[%add3A_65, %dma_wait3A_89] : memref<640000x128xf32, #tpu.memory_space<hbm>> -> memref<80x128xf32, #tpu.memory_space<hbm>>
      tpu.wait_dma2 semaphore(%arg15 : memref<!tpu.dma_semaphore, #tpu.memory_space<semaphore_mem>>) src(%arg9 : memref<80x128xf32, #tpu.memory_space<vmem>>) dst(%dma_wait3A_90 : memref<80x128xf32, #tpu.memory_space<hbm>>)
      %lt3A = arith.constant 124 : i32
      %lt3A_91 = arith.cmpi slt, %scan3A_27, %lt3A : i32
      %convert_element_type3A_92 = arith.extui %lt3A_91 : i1 to i32
      %cond3A_93 = arith.constant 0 : i32
      %cond3A_94 = arith.cmpi ne, %convert_element_type3A_92, %cond3A_93 : i32
      scf.if %cond3A_94 {
        %add3A_102 = arith.constant 2 : i32
        %add3A_103 = arith.addi %mul3A_29, %add3A_102 : i32
        %dma_start3A_104 = arith.constant 0 : i32
        %dma_start3A_105 = tpu.memref_slice %arg7[%add3A_103, %dma_start3A_104] : memref<250x80xi32, #tpu.memory_space<vmem>> -> memref<1x80xi32, #tpu.memory_space<vmem>>
        %dma_start3A_106 = tpu.memref_squeeze %dma_start3A_105 : memref<1x80xi32, #tpu.memory_space<vmem>> -> memref<80xi32, #tpu.memory_space<vmem>>
        %dma_start3A_107 = arith.constant 0 : i32
        %dma_start3A_108 = arith.constant 0 : i32
        %dma_start3A_109 = tpu.memref_slice %arg2[%dma_start3A_107, %dma_start3A_108] : memref<20000x128xf32, #tpu.memory_space<hbm>> -> memref<20000x128xf32, #tpu.memory_space<hbm>>
        tpu.enqueue_indirect_dma source(%dma_start3A_109 : memref<20000x128xf32, #tpu.memory_space<hbm>>) target(%arg9 : memref<80x128xf32, #tpu.memory_space<vmem>>) offsets(%dma_start3A_106 : memref<80xi32, #tpu.memory_space<vmem>>) semaphore(%arg13 : memref<!tpu.dma_semaphore, #tpu.memory_space<semaphore_mem>>)
        %dma_start3A_110 = arith.constant 0 : i32
        %dma_start3A_111 = tpu.memref_slice %arg8[%add3A_103, %dma_start3A_110] : memref<250x80xi32, #tpu.memory_space<vmem>> -> memref<1x80xi32, #tpu.memory_space<vmem>>
        %dma_start3A_112 = tpu.memref_squeeze %dma_start3A_111 : memref<1x80xi32, #tpu.memory_space<vmem>> -> memref<80xi32, #tpu.memory_space<vmem>>
        %dma_start3A_113 = arith.constant 0 : i32
        %dma_start3A_114 = arith.constant 0 : i32
        %dma_start3A_115 = tpu.memref_slice %arg3[%dma_start3A_113, %dma_start3A_114] : memref<20000x128xf32, #tpu.memory_space<hbm>> -> memref<20000x128xf32, #tpu.memory_space<hbm>>
        tpu.enqueue_indirect_dma source(%dma_start3A_115 : memref<20000x128xf32, #tpu.memory_space<hbm>>) target(%arg10 : memref<80x128xf32, #tpu.memory_space<vmem>>) offsets(%dma_start3A_112 : memref<80xi32, #tpu.memory_space<vmem>>) semaphore(%arg13 : memref<!tpu.dma_semaphore, #tpu.memory_space<semaphore_mem>>)
      } else {
      }
      %mul3A_95 = arith.constant 80 : i32
      %mul3A_96 = arith.muli %add3A_31, %mul3A_95 : i32
      %add3A_97 = arith.addi %mul3A_4, %mul3A_96 : i32
      %dma_start3A_98 = arith.constant 0 : i32
      %dma_start3A_99 = tpu.memref_slice %arg6[%add3A_97, %dma_start3A_98] : memref<640000x128xf32, #tpu.memory_space<hbm>> -> memref<80x128xf32, #tpu.memory_space<hbm>>
      %dma_start3A_100 = arith.constant 0 : i32
      %dma_start3A_101 = tpu.memref_slice %arg6[%add3A_97, %dma_start3A_100] : memref<640000x128xf32, #tpu.memory_space<hbm>> -> memref<80x128xf32, #tpu.memory_space<hbm>>
      tpu.enqueue_dma source(%arg11 : memref<80x128xf32, #tpu.memory_space<vmem>>) target(%dma_start3A_101 : memref<80x128xf32, #tpu.memory_space<hbm>>) target_semaphore(%arg16 : memref<!tpu.dma_semaphore, #tpu.memory_space<semaphore_mem>>)
    }
    %scan3A_21 = arith.constant 125 : i32
    %dma_wait3A = arith.constant 0 : i32
    %dma_wait3A_22 = arith.constant 0 : i32
    %dma_wait3A_23 = tpu.memref_slice %arg6[%dma_wait3A, %dma_wait3A_22] : memref<640000x128xf32, #tpu.memory_space<hbm>> -> memref<80x128xf32, #tpu.memory_space<hbm>>
    %dma_wait3A_24 = arith.constant 0 : i32
    %dma_wait3A_25 = arith.constant 0 : i32
    %dma_wait3A_26 = tpu.memref_slice %arg6[%dma_wait3A_24, %dma_wait3A_25] : memref<640000x128xf32, #tpu.memory_space<hbm>> -> memref<80x128xf32, #tpu.memory_space<hbm>>
    tpu.wait_dma2 semaphore(%arg16 : memref<!tpu.dma_semaphore, #tpu.memory_space<semaphore_mem>>) src(%arg11 : memref<80x128xf32, #tpu.memory_space<vmem>>) dst(%dma_wait3A_26 : memref<80x128xf32, #tpu.memory_space<hbm>>)
    return
  }
}

module attributes {stable_mosaic.version = 14 : i64} {
  func.func @_tc_body(%arg0: i32, %arg1: memref<2000x128xf32, #tpu.memory_space<vmem>>, %arg2: memref<2x2000x32xf32, #tpu.memory_space<vmem>>, %arg3: memref<144x128xf32, #tpu.memory_space<vmem>>, %arg4: memref<1x128xf32, #tpu.memory_space<vmem>>, %arg5: memref<256x256xf32, #tpu.memory_space<vmem>>, %arg6: memref<1x256xf32, #tpu.memory_space<vmem>>, %arg7: memref<2000x128xf32, #tpu.memory_space<vmem>>, %arg8: memref<2000x256xf32, #tpu.memory_space<vmem>>, %arg9: memref<2000x256xf32, #tpu.memory_space<vmem>>) attributes {dimension_semantics = [#tpu.dimension_semantics<arbitrary>], iteration_bounds = array<i64: 5>, scalar_prefetch = 0 : i64, scratch_operands = 0 : i64, tpu.core_type = #tpu.core_type<tc>, window_params = [{transform_indices = @transform_0, window_bounds = array<i64: 2000, 128>}, {transform_indices = @transform_1, window_bounds = array<i64: 2, 2000, 32>}, {pipeline_mode = #tpu.pipeline_mode<synchronous>, transform_indices = @transform_2, window_bounds = array<i64: 144, 128>}, {pipeline_mode = #tpu.pipeline_mode<synchronous>, transform_indices = @transform_3, window_bounds = array<i64: 1, 128>}, {pipeline_mode = #tpu.pipeline_mode<synchronous>, transform_indices = @transform_4, window_bounds = array<i64: 256, 256>}, {pipeline_mode = #tpu.pipeline_mode<synchronous>, transform_indices = @transform_5, window_bounds = array<i64: 1, 256>}, {transform_indices = @transform_6, window_bounds = array<i64: 2000, 128>}, {transform_indices = @transform_7, window_bounds = array<i64: 2000, 256>}, {transform_indices = @transform_8, window_bounds = array<i64: 2000, 256>}]} {
    %get3A = arith.constant 0 : index
    %get3A_0 = arith.constant 0 : index
    %get3A_1 = arith.constant 0 : index
    %get3A_2 = vector.load %arg2[%get3A, %get3A_0, %get3A_1] : memref<2x2000x32xf32, #tpu.memory_space<vmem>>, vector<1x2000x32xf32>
    %get3A_3 = vector.shape_cast %get3A_2 : vector<1x2000x32xf32> to vector<2000x32xf32>
    %get3A_4 = arith.constant 1 : index
    %get3A_5 = arith.constant 0 : index
    %get3A_6 = arith.constant 0 : index
    %get3A_7 = vector.load %arg2[%get3A_4, %get3A_5, %get3A_6] : memref<2x2000x32xf32, #tpu.memory_space<vmem>>, vector<1x2000x32xf32>
    %get3A_8 = vector.shape_cast %get3A_7 : vector<1x2000x32xf32> to vector<2000x32xf32>
    %add3A = arith.addf %get3A_3, %get3A_8 : vector<2000x32xf32>
    %slice3A = vector.extract_strided_slice %add3A {offsets = [0, 0], sizes = [2000, 16], strides = [1, 1]} : vector<2000x32xf32> to vector<2000x16xf32>
    %slice3A_9 = vector.extract_strided_slice %add3A {offsets = [0, 16], sizes = [2000, 1], strides = [1, 1]} : vector<2000x32xf32> to vector<2000x1xf32>
    %max3A = arith.constant 1.000000e+00 : f32
    %max3A_10 = vector.broadcast %max3A : f32 to vector<2000x1xf32>
    %max3A_11 = arith.maximumf %slice3A_9, %max3A_10 : vector<2000x1xf32>
    %div3A = vector.broadcast %max3A_11 : vector<2000x1xf32> to vector<2000x16xf32>
    %div3A_12 = arith.divf %slice3A, %div3A : vector<2000x16xf32>
    %get3A_13 = arith.constant 0 : index
    %get3A_14 = arith.constant 0 : index
    %get3A_15 = vector.load %arg1[%get3A_13, %get3A_14] : memref<2000x128xf32, #tpu.memory_space<vmem>>, vector<2000x128xf32>
    %get3A_16 = arith.constant 0 : index
    %get3A_17 = arith.constant 0 : index
    %get3A_18 = vector.load %arg3[%get3A_16, %get3A_17] : memref<144x128xf32, #tpu.memory_space<vmem>>, vector<144x128xf32>
    %slice3A_19 = vector.extract_strided_slice %get3A_18 {offsets = [0, 0], sizes = [128, 128], strides = [1, 1]} : vector<144x128xf32> to vector<128x128xf32>
    %dot_general3A = arith.constant dense<0.000000e+00> : vector<2000x128xf32>
    %dot_general3A_20 = tpu.matmul %get3A_15, %slice3A_19, %dot_general3A {dimension_numbers = #tpu.dot_dimension_numbers<[1], [0], [0], [1], [0, 0, 1, 1], [], []>, precision = #tpu.contract_precision<fp32>, transpose_lhs_hint = false} : vector<2000x128xf32>, vector<128x128xf32>, vector<2000x128xf32> -> vector<2000x128xf32>
    %slice3A_21 = vector.extract_strided_slice %get3A_18 {offsets = [128, 0], sizes = [16, 128], strides = [1, 1]} : vector<144x128xf32> to vector<16x128xf32>
    %dot_general3A_22 = arith.constant dense<0.000000e+00> : vector<2000x128xf32>
    %dot_general3A_23 = tpu.matmul %div3A_12, %slice3A_21, %dot_general3A_22 {dimension_numbers = #tpu.dot_dimension_numbers<[1], [0], [0], [1], [0, 0, 1, 1], [], []>, precision = #tpu.contract_precision<fp32>, transpose_lhs_hint = false} : vector<2000x16xf32>, vector<16x128xf32>, vector<2000x128xf32> -> vector<2000x128xf32>
    %add3A_24 = arith.addf %dot_general3A_20, %dot_general3A_23 : vector<2000x128xf32>
    %get3A_25 = arith.constant 0 : index
    %get3A_26 = arith.constant 0 : index
    %get3A_27 = vector.load %arg4[%get3A_25, %get3A_26] : memref<1x128xf32, #tpu.memory_space<vmem>>, vector<1x128xf32>
    %add3A_28 = vector.broadcast %get3A_27 : vector<1x128xf32> to vector<2000x128xf32>
    %add3A_29 = arith.addf %add3A_24, %add3A_28 : vector<2000x128xf32>
    %max3A_30 = arith.constant 0.000000e+00 : f32
    %max3A_31 = vector.broadcast %max3A_30 : f32 to vector<2000x128xf32>
    %max3A_32 = arith.maximumf %add3A_29, %max3A_31 : vector<2000x128xf32>
    %swap3A = arith.constant 0 : index
    %swap3A_33 = arith.constant 0 : index
    %swap3A_34 = vector.load %arg7[%swap3A, %swap3A_33] : memref<2000x128xf32, #tpu.memory_space<vmem>>, vector<2000x128xf32>
    tpu.vector_store %arg7[%swap3A, %swap3A_33], %max3A_32 {strides = array<i32>} : memref<2000x128xf32, #tpu.memory_space<vmem>>, vector<2000x128xf32>,
    %get3A_35 = arith.constant 0 : index
    %get3A_36 = arith.constant 0 : index
    %get3A_37 = vector.load %arg5[%get3A_35, %get3A_36] : memref<256x256xf32, #tpu.memory_space<vmem>>, vector<256x256xf32>
    %slice3A_38 = vector.extract_strided_slice %get3A_37 {offsets = [0, 0], sizes = [128, 256], strides = [1, 1]} : vector<256x256xf32> to vector<128x256xf32>
    %dot_general3A_39 = arith.constant dense<0.000000e+00> : vector<2000x256xf32>
    %dot_general3A_40 = tpu.matmul %max3A_32, %slice3A_38, %dot_general3A_39 {dimension_numbers = #tpu.dot_dimension_numbers<[1], [0], [0], [1], [0, 0, 1, 1], [], []>, precision = #tpu.contract_precision<fp32>, transpose_lhs_hint = false} : vector<2000x128xf32>, vector<128x256xf32>, vector<2000x256xf32> -> vector<2000x256xf32>
    %swap3A_41 = arith.constant 0 : index
    %swap3A_42 = arith.constant 0 : index
    %swap3A_43 = vector.load %arg8[%swap3A_41, %swap3A_42] : memref<2000x256xf32, #tpu.memory_space<vmem>>, vector<2000x256xf32>
    tpu.vector_store %arg8[%swap3A_41, %swap3A_42], %dot_general3A_40 {strides = array<i32>} : memref<2000x256xf32, #tpu.memory_space<vmem>>, vector<2000x256xf32>,
    %slice3A_44 = vector.extract_strided_slice %get3A_37 {offsets = [128, 0], sizes = [128, 256], strides = [1, 1]} : vector<256x256xf32> to vector<128x256xf32>
    %dot_general3A_45 = arith.constant dense<0.000000e+00> : vector<2000x256xf32>
    %dot_general3A_46 = tpu.matmul %max3A_32, %slice3A_44, %dot_general3A_45 {dimension_numbers = #tpu.dot_dimension_numbers<[1], [0], [0], [1], [0, 0, 1, 1], [], []>, precision = #tpu.contract_precision<fp32>, transpose_lhs_hint = false} : vector<2000x128xf32>, vector<128x256xf32>, vector<2000x256xf32> -> vector<2000x256xf32>
    %get3A_47 = arith.constant 0 : index
    %get3A_48 = arith.constant 0 : index
    %get3A_49 = vector.load %arg6[%get3A_47, %get3A_48] : memref<1x256xf32, #tpu.memory_space<vmem>>, vector<1x256xf32>
    %add3A_50 = vector.broadcast %get3A_49 : vector<1x256xf32> to vector<2000x256xf32>
    %add3A_51 = arith.addf %dot_general3A_46, %add3A_50 : vector<2000x256xf32>
    %swap3A_52 = arith.constant 0 : index
    %swap3A_53 = arith.constant 0 : index
    %swap3A_54 = vector.load %arg9[%swap3A_52, %swap3A_53] : memref<2000x256xf32, #tpu.memory_space<vmem>>, vector<2000x256xf32>
    tpu.vector_store %arg9[%swap3A_52, %swap3A_53], %add3A_51 {strides = array<i32>} : memref<2000x256xf32, #tpu.memory_space<vmem>>, vector<2000x256xf32>,
    return
  }
  func.func @transform_0(%arg0: i32) -> (i32, i32) {
    %c0_i32 = arith.constant 0 : i32
    %c0_i32_0 = arith.constant 0 : i32
    return %arg0, %c0_i32 : i32, i32
  }
  func.func @transform_1(%arg0: i32) -> (i32, i32, i32) {
    %c0_i32 = arith.constant 0 : i32
    %c0_i32_0 = arith.constant 0 : i32
    %c0_i32_1 = arith.constant 0 : i32
    return %c0_i32, %arg0, %c0_i32_0 : i32, i32, i32
  }
  func.func @transform_2(%arg0: i32) -> (i32, i32) {
    %c0_i32 = arith.constant 0 : i32
    %c0_i32_0 = arith.constant 0 : i32
    %c0_i32_1 = arith.constant 0 : i32
    return %c0_i32, %c0_i32_0 : i32, i32
  }
  func.func @transform_3(%arg0: i32) -> (i32, i32) {
    %c0_i32 = arith.constant 0 : i32
    %c0_i32_0 = arith.constant 0 : i32
    %c0_i32_1 = arith.constant 0 : i32
    return %c0_i32, %c0_i32_0 : i32, i32
  }
  func.func @transform_4(%arg0: i32) -> (i32, i32) {
    %c0_i32 = arith.constant 0 : i32
    %c0_i32_0 = arith.constant 0 : i32
    %c0_i32_1 = arith.constant 0 : i32
    return %c0_i32, %c0_i32_0 : i32, i32
  }
  func.func @transform_5(%arg0: i32) -> (i32, i32) {
    %c0_i32 = arith.constant 0 : i32
    %c0_i32_0 = arith.constant 0 : i32
    %c0_i32_1 = arith.constant 0 : i32
    return %c0_i32, %c0_i32_0 : i32, i32
  }
  func.func @transform_6(%arg0: i32) -> (i32, i32) {
    %c0_i32 = arith.constant 0 : i32
    %c0_i32_0 = arith.constant 0 : i32
    return %arg0, %c0_i32 : i32, i32
  }
  func.func @transform_7(%arg0: i32) -> (i32, i32) {
    %c0_i32 = arith.constant 0 : i32
    %c0_i32_0 = arith.constant 0 : i32
    return %arg0, %c0_i32 : i32, i32
  }
  func.func @transform_8(%arg0: i32) -> (i32, i32) {
    %c0_i32 = arith.constant 0 : i32
    %c0_i32_0 = arith.constant 0 : i32
    return %arg0, %c0_i32 : i32, i32
  }
}

</mosaic_0001>

<sc_bundles>
// kernel: kernel.5.cloned.1.call-start
scs
__scs_entry_jumppad:
0x0: {  	(pc) =	sbr.rel $0x88, $3  }
0x1: {  	(tag) =	ssettag $0x0;
	lr =	simm.s32 $0x1  }
0x2: {  	[smem:$0x3F9A] =	sst lr;
	_ =	strace $0xD0000000  }
0x3: {  	_ = 	snop  }
0x4: {  	_ = 	snop  }
0x5: {  	_ = 	snop  }
0x6: {  	_ = 	snop  }
0x7: {  	_ = 	snop  }
__scs_overlays_trampoline_lowered:
0x8: {  	[smem:$0x3FA9] =	sst s0  }
0x9: {  	[smem:$0x3FAA] =	sst s1  }
0xa: {  	[smem:$0x3FAB] =	sst s2  }
0xb: {  	[smem:$0x3FAC] =	sst s3  }
0xc: {  	[smem:$0x3FAD] =	sst s4  }
0xd: {  	[smem:$0x3FAE] =	sst s5  }
0xe: {  	[smem:$0x3FAF] =	sst s6  }
0xf: {  	[smem:$0x3FB0] =	sst s7  }
0x10: {  	[smem:$0x3FB1] =	sst s8  }
0x11: {  	[smem:$0x3FB2] =	sst s9;
	s0 =	simm.s32 @!p0 $0x0  }
0x12: {  	s1 =	sld [smem:$0x3F98];
	s0 =	simm.s32 @p0 $0x1  }
0x13: {  	[smem:$0x3FB3] =	sst s0;
	s0 =	simm.s32 @!p1 $0x0  }
0x14: {  	s2 =	sld [smem:$0x3F97];
	s0 =	simm.s32 @p1 $0x1  }
0x15: {  	[smem:$0x3FB4] =	sst s0;
	s0 =	simm.s32 @!p2 $0x0  }
0x16: {  	s3 =	sld [smem:$0x3FDB];
	s0 =	simm.s32 @p2 $0x1  }
0x17: {  	s4 =	simm.s32 $0x1BF5;
	[smem:$0x3FB6] =	sst s0  }
0x18: {  	s0 =	sld [smem:$0x3F99];
	_ =	swait.ge [sflag:s4], $0x0  }
0x19: {  	s7 =	sld [smem:$0x3F9A]  }
0x1a: {  	s8 =	sadd.s32 $0xFFFFE003, lr  }
0x1b: {  	s9 =	sadd.s32 $0xFFFFFEF7, lr;
	s5 =	simm.s32 $0xFFFFFFFF;
	p2 =	slt.u32 s8, $0xFFFFF086  }
0x1c: {  	p1 =	slt.u32 s9, $0xF7A;
	s5 =	simm.s32 @!p2 $0x0  }
0x1d: {  	s5 =	simm.s32 @p1 $0x1;
	p0 =	seq.s32 s7, s2  }
0x1e: {  	s7 =	smul.u32 @!p0 $0xF7A, s2;
	p2 =	seq.s32 @!p0 s5, $0x0  }
0x1f: {  	s9 =	smul.u32 $0xF7A, s1;
	s8 =	simm.s32 @!p0 $0x1BF5;
	p2 =	por !p2, p0  }
0x20: {  	[sflag:s8] =	ssyncset.s32 @!p0 $0xFFFFF086;
	s6 =	sadd.s32 @!p0 s3, s7;
	s7 =	simm.s32 @!p0 $0x108  }
0x21: {  	s3 =	sadd.s32 s3, s9;
	s6 =	sadd.s32 @!p0 $0x88, s6;
	s7 =	simm.s32 @p2 $0x1082  }
0x22: {  	[simem:s7], [sflag:s8] =	dma.local @!p0 [hbm:s6], $0xF7A  }
0x23: {  	s9 =	sor.u32 $0xD0000000, s2;
	s6 =	simm.s32 $0x108;
	_ =	swait.ge @!p0 [sflag:s8], $0x0  }
0x24: {  	s3 =	sadd.s32 $0x88, s3;
	s6 =	simm.s32 @!p1 $0x1082;
	[sflag:s4] =	ssyncset.s32 $0xFFFFF086  }
0x25: {  	[simem:s6], [sflag:s4] =	dma.local [hbm:s3], $0xF7A  }
0x26: {  	[smem:$0x3F9A] =	sst s1;
	(tag) =	ssettag s2;
	_ =	strace s9  }
0x27: {  	s1 =	sld [smem:$0x3FAA]  }
0x28: {  	s2 =	sld [smem:$0x3FAB]  }
0x29: {  	s4 =	sld [smem:$0x3FAD]  }
0x2a: {  	p0 =	seq.s32 s5, $0x0;
	s5 =	sld [smem:$0x3FAE]  }
0x2b: {  	s6 =	sld [smem:$0x3FAF]  }
0x2c: {  	s7 =	sld [smem:$0x3FB0]  }
0x2d: {  	s3 =	simm.s32 $0x108;
	s8 =	sld [smem:$0x3FB1]  }
0x2e: {  	s3 =	simm.s32 @!p0 $0x1082;
	s9 =	sld [smem:$0x3FB2]  }
0x2f: {  	lr =	sadd.s32 s0, s3;
	s0 =	sld [smem:$0x3FA9]  }
0x30: {  	s3 =	sld [smem:$0x3FAC]  }
0x31: {  	[smem:$0x3FB5] =	sst s10  }
0x32: {  	s10 =	sld [smem:$0x3FB3];
	_ =	sdelay $0x3  }
0x33: {  	p0 =	seq.s32 s10, $0x1;
	s10 =	sld [smem:$0x3FB5];
	_ =	sdelay $0x3  }
0x34: {  	[smem:$0x3FB5] =	sst s10  }
0x35: {  	s10 =	sld [smem:$0x3FB4];
	_ =	sdelay $0x3  }
0x36: {  	p1 =	seq.s32 s10, $0x1;
	s10 =	sld [smem:$0x3FB5];
	_ =	sdelay $0x3  }
0x37: {  	[smem:$0x3FB5] =	sst s10  }
0x38: {  	s10 =	sld [smem:$0x3FB6]  }
0x39: {  	_ = 	snop;
	(pc) =	sbr.ind lr, $3  }
0x3a: {  	_ = 	snop  }
0x3b: {  	_ = 	snop  }
0x3c: {  	p2 =	seq.s32 s10, $0x1;
	s10 =	sld [smem:$0x3FB5]  }
0x3d: {  	_ =	shalt  }
0x3e: {  	_ =	shalt  }
0x3f: {  	_ =	shalt  }
0x40: {  	_ =	shalt  }
0x41: {  	_ =	shalt  }
0x42: {  	_ =	shalt  }
0x43: {  	_ =	shalt  }
0x44: {  	_ =	shalt  }
0x45: {  	_ =	shalt  }
0x46: {  	_ =	shalt  }
0x47: {  	_ =	shalt  }
0x48: {  	_ =	shalt  }
0x49: {  	_ =	shalt  }
0x4a: {  	_ =	shalt  }
0x4b: {  	_ =	shalt  }
0x4c: {  	_ =	shalt  }
0x4d: {  	_ =	shalt  }
0x4e: {  	_ =	shalt  }
0x4f: {  	_ =	shalt  }
0x50: {  	_ =	shalt  }
0x51: {  	_ =	shalt  }
0x52: {  	_ =	shalt  }
0x53: {  	_ =	shalt  }
0x54: {  	_ =	shalt  }
0x55: {  	_ =	shalt  }
0x56: {  	_ =	shalt  }
0x57: {  	_ =	shalt  }
0x58: {  	_ =	shalt  }
0x59: {  	_ =	shalt  }
0x5a: {  	_ =	shalt  }
0x5b: {  	_ =	shalt  }
0x5c: {  	_ =	shalt  }
0x5d: {  	_ =	shalt  }
0x5e: {  	_ =	shalt  }
0x5f: {  	_ =	shalt  }
0x60: {  	_ =	shalt  }
0x61: {  	_ =	shalt  }
0x62: {  	_ =	shalt  }
0x63: {  	_ =	shalt  }
0x64: {  	_ =	shalt  }
0x65: {  	_ =	shalt  }
0x66: {  	_ =	shalt  }
0x67: {  	_ =	shalt  }
0x68: {  	_ =	shalt  }
0x69: {  	_ =	shalt  }
0x6a: {  	_ =	shalt  }
0x6b: {  	_ =	shalt  }
0x6c: {  	_ =	shalt  }
0x6d: {  	_ =	shalt  }
0x6e: {  	_ =	shalt  }
0x6f: {  	_ =	shalt  }
0x70: {  	_ =	shalt  }
0x71: {  	_ =	shalt  }
0x72: {  	_ =	shalt  }
0x73: {  	_ =	shalt  }
0x74: {  	_ =	shalt  }
0x75: {  	_ =	shalt  }
0x76: {  	_ =	shalt  }
0x77: {  	_ =	shalt  }
0x78: {  	_ =	shalt  }
0x79: {  	_ =	shalt  }
0x7a: {  	_ =	shalt  }
0x7b: {  	_ =	shalt  }
0x7c: {  	_ =	shalt  }
0x7d: {  	_ =	shalt  }
0x7e: {  	_ =	shalt  }
0x7f: {  	_ =	shalt  }
0x80: {  	_ =	shalt  }
0x81: {  	_ =	shalt  }
0x82: {  	_ =	shalt  }
0x83: {  	_ =	shalt  }
0x84: {  	_ =	shalt  }
0x85: {  	_ =	shalt  }
0x86: {  	_ =	shalt  }
0x87: {  	_ =	shalt  }
.Lfunc_end0:
.L_simem_size_0:
called_computation_lowered:
.L_overlay_start_0:
0x88: {  	s2 =	sld [smem:$0x3FD9]  }
0x89: {  	s3 =	sld [smem:$0x3FFE];
	_ =	sdelay $0x1  }
0x8a: {  	s1 =	srdreg.scid  }
0x8b: {  	s0 =	sand.u32 $0x1, s1  }
0x8c: {  	s14 =	sshll.u32 s0, $0xA;
	s2 =	sadd.s32 s3, s2  }
0x8d: {  	s2 =	sadd.s32 s2, s14  }
0x8e: {  	[smem:$0x3FC1] =	sst s2  }
0x8f: {  	_ = 	snop  }
0x90: {  	s2 =	sld [smem:$0x3FD0];
	_ =	sdelay $0x2  }
0x91: {  	s15 =	simm.s32 $0xA;
	s4 =	simm.s32 $0x10  }
0x92: {  	[smem:s4], [sflag:s15] =	dma.local [hbm:s2], $0x1  }
0x93: {  	_ =	swait.eq [sflag:s15], $0x1  }
0x94: {  	[sflag:s15] =	ssyncset.done $0x0  }
0x95: {  	s16 =	sld [smem:$0x10];
	[sflag:s15] =	ssyncadd.s32 $0xFFFFFFFF  }
0x96: {  	s17 =	sld [smem:$0x11];
	(tm) =	ssettm $0x1  }
0x97: {  	s18 =	sld [smem:$0x3FFB];
	_ =	sdelay $0x3  }
0x98: {  	_ =	strace s18  }
0x99: {  	s4 =	sld [smem:$0x3FFC];
	_ =	sdelay $0x3  }
0x9a: {  	_ =	strace s4  }
0x9b: {  	s4 =	sld [smem:$0x3FFD];
	_ =	sdelay $0x3  }
0x9c: {  	_ =	strace s4  }
0x9d: {  	_ =	strace $0x8FFFFFFF  }
0x9e: {  	s19 =	sld [smem:$0x3FDB];
	_ =	sdelay $0x1  }
0x9f: {  	s5 =	simm.s32 $_scs_section_size  }
0xa0: {  	s6 =	simm.s32 $_size__tile_overlayer_lowered;
	s7 =	simm.s32 $_tile_overlayer_lowered  }
0xa1: {  	s22 =	simm.s32 $0x1BFF;
	s21 =	sshll.u32 s7, $0x1;
	s4 =	sadd.s32 s5, s19  }
0xa2: {  	s8 =	simm.s32 $0x0;
	s20 =	sshll.u32 s6, $0x1;
	s6 =	sadd.s32 s21, s4  }
0xa3: {  	[timem:s8], [sflag:s22] =	dma.local [hbm:s6], s20  }
0xa4: {  	_ =	swait.ge [sflag:s22], s20  }
0xa5: {  	s5 =	ssub.s32 $0x0, s20;
	[sflag:s22] =	ssyncset.done $0x0  }
0xa6: {  	[sflag:s22] =	ssyncadd.s32 s5;
	_ =	sdelay $0x1  }
0xa7: {  	s23 =	simm.s32 $0x1B8B  }
0xa8: {  	_ =	swait.ge [sflag:s23], $0x1  }
0xa9: {  	[sflag:s23] =	ssyncset.done $0x0  }
0xaa: {  	s25 =	simm.s32 $0x1B8E;
	s24 =	sld [smem:$0x3FFE];
	[sflag:s23] =	ssyncadd.s32 $0xFFFFFFFF  }
0xab: {  	s26 =	simm.s32 $execute0_lowered;
	[smem:$0x3FD2] =	sst s25  }
0xac: {  	s6 =	sshll.u32 s26, $0x1;
	_ =	strace $0x80000046;
	[dreg:$0x1] =	wrdreg $0xFFFFFFFF  }
0xad: {  	s28 =	simm.s32 $_size_execute0_lowered;
	s4 =	sadd.s32 s4, s6;
	[dreg:$0x0] =	wrdreg $0x0  }
0xae: {  	s6 =	sshll.u32 s28, $0x1;
	[dreg:$0x2] =	wrdreg s4  }
0xaf: {  	[dreg:$0x3] =	wrdreg s6  }
0xb0: {  	[dreg:$0x4] =	wrdreg $0xC0  }
0xb1: {  	_ =	task [dreg:s8], $0x5FFFF  }
0xb2: {  	[dreg:$0x1] =	wrdreg $0xFFFFFFFF  }
0xb3: {  	[dreg:$0x0] =	wrdreg $0x60  }
0xb4: {  	[dreg:$0x2] =	wrdreg s24  }
0xb5: {  	[dreg:$0x3] =	wrdreg s16  }
0xb6: {  	[dreg:$0x4] =	wrdreg s17  }
0xb7: {  	[dreg:$0x5] =	wrdreg $0x6C000  }
0xb8: {  	[dreg:$0x6] =	wrdreg $0x9  }
0xb9: {  	_ =	task.clear_ibuf [dreg:s8], $0x7FFFF;
	_ =	strace $0x90000046  }
0xba: {  	s29 =	simm.s32 $0x9;
	_ =	strace $0x80000048  }
0xbb: {  	_ =	swait.ge [sflag:s29], $0x1  }
0xbc: {  	[sflag:s29] =	ssyncadd.s32 $0xFFFFFFFF  }
0xbd: {  	_ =	strace $0x90000048  }
0xbe: {  	_ =	sfence  }
0xbf: {  	s30 =	sld [smem:$0x0];
	_ =	sdelay $0x2  }
0xc0: {  	s31 =	sshll.u32 s1, $0xD;
	s1 =	sshrl.u32 s1, $0x2  }
0xc1: {  	s3 =	sand.u32 $0x4000, s31;
	s1 =	sadd.s32 s1, s30  }
0xc2: {  	s0 =	sor.u32 s3, s0;
	s1 =	sshll.u32 s1, $0x11  }
0xc3: {  	s0 =	sor.u32 s1, s0  }
0xc4: {  	s0 =	sadd.s32 $0x8F2B, s0  }
0xc5: {  	[sflag:s0] =	ssyncadd.remote.s32 $0x1  }
0xc6: {  	_ =	sfence.sel $0xFFFF  }
0xc7: {  	[dreg:$0x0] =	wrdreg $0xFFFFFFFF;
	(pc) =	sbr.abs _section_cstart, $3  }
0xc8: {  	[dreg:$0x1] =	wrdreg $0xFFFFFFFF  }
0xc9: {  	_ =	task.clear_ibuf [dreg:s8], $0x2FFFF;
	_ =	strace $0x9FFFFFFF  }
0xca: {  	(tm) =	ssettm $0x7FFFFFFF  }
0xcb: {  	_ =	shalt  }
tec
execute0_lowered:
.L_overlay_start_1:
0x0: {  	(tag) =	ssettag $0x1  }
0x1: {  	s4 =	rddreg [dreg:$0x0]  }
0x2: {  	s5 =	rddreg [dreg:$0x1]  }
0x3: {  	s8 =	rddreg [dreg:$0x2]  }
0x4: {  	s0 =	srdreg.scid;
	s1 =	stileid.u32  }
0x5: {  	s2 =	rddreg [dreg:$0x3];
	s9 =	sand.u32 $0x1, s0;
	s7 =	smul.u32 $0x145000, s1  }
0x6: {  	s3 =	simm.s32 $0x0;
	s0 =	rddreg [dreg:$0x4];
	s6 =	smul.u32 $0x1450000, s9  }
0x7: {  	[smem:$0x7FF] =	sst s3  }
0x8: {  	s20 =	smul.u32 $0x14000, s1;
	s31 =	ssub.s32 $0x2, s9;
	s6 =	sadd.s32 s7, s6  }
0x9: {  	_ =	strace $0x80000047;
	s11 =	sshrl.u32 s31, $0x1;
	s10 =	sshrl.u32 s6, $0x3  }
0xa: {  	s6 =	smul.u32 $0x280, s1;
	s14 =	sadd.s32 s10, s4;
	s10 =	sshll.u32 s9, $0x4  }
0xb: {  	s7 =	ssub.s32 s31, s11;
	s9 =	smul.u32 $0x140000, s9;
	s4 =	sor.u32 s1, s10  }
0xc: {  	s11 =	sor.u32 $0x10, s6;
	s29 =	sor.u32 $0x20, s6;
	s12 =	sor.u32 $0x30, s6  }
0xd: {  	s13 =	sor.u32 $0x40, s6;
	s15 =	sor.u32 $0x50, s6;
	s16 =	sor.u32 $0x60, s6  }
0xe: {  	s17 =	sor.u32 $0x70, s6;
	s18 =	sadd.s32 $0x80, s6;
	s19 =	sadd.s32 $0x90, s6  }
0xf: {  	s21 =	sadd.s32 $0xA0, s6;
	s22 =	sadd.s32 $0xB0, s6;
	s23 =	sadd.s32 $0xC0, s6  }
0x10: {  	s24 =	sadd.s32 $0xD0, s6;
	s25 =	sadd.s32 $0xF0, s6;
	s26 =	sadd.s32 $0x100, s6  }
0x11: {  	s30 =	sadd.s32 $0x110, s6;
	s31 =	sadd.s32 $0x120, s6;
	s28 =	sadd.s32 $0x130, s6  }
0x12: {  	v39 =	vlaneseq.u32;
	s10 =	sadd.s32 $0x140, s6;
	s14 =	sadd.s32 $0x15000, s14;
	s4 =	smul.u32 $0x680, s4  }
0x13: {  	s9 =	sadd.s32 s20, s9;
	s20 =	sadd.s32 $0xE0, s6;
	v0 =	vor.u32 s11, v39;
	s11 =	sadd.s32 $0x150, s6  }
0x14: {  	v1 =	vor.u32 s29, v39;
	s29 =	sadd.s32 $0x160, s6;
	v2 =	vor.u32 s12, v39;
	v3 =	vor.u32 s13, v39;
	s12 =	sadd.s32 $0x170, s6;
	s13 =	sadd.s32 $0x180, s6  }
0x15: {  	v4 =	vor.u32 s15, v39;
	s15 =	sadd.s32 $0x190, s6;
	v5 =	vor.u32 s16, v39;
	v6 =	vor.u32 s17, v39;
	s16 =	sadd.s32 $0x1A0, s6;
	s17 =	sadd.s32 $0x1B0, s6  }
0x16: {  	v7 =	vor.u32 s18, v39;
	s18 =	sadd.s32 $0x1C0, s6;
	v8 =	vor.u32 s19, v39;
	v9 =	vor.u32 s21, v39;
	s19 =	sadd.s32 $0x1D0, s6;
	s21 =	sadd.s32 $0x1E0, s6  }
0x17: {  	v10 =	vor.u32 s22, v39;
	s22 =	sadd.s32 $0x1F0, s6;
	v11 =	vor.u32 s23, v39;
	v12 =	vor.u32 s24, v39;
	s23 =	sadd.s32 $0x210, s6;
	s24 =	sadd.s32 $0x220, s6  }
0x18: {  	v14 =	vor.u32 s25, v39;
	v15 =	vor.u32 s26, v39;
	v16 =	vor.u32 s30, v39;
	s25 =	sadd.s32 $0x230, s6;
	s26 =	sadd.s32 $0x240, s6;
	s30 =	sadd.s32 $0x250, s6  }
0x19: {  	v17 =	vor.u32 s31, v39;
	v18 =	vor.u32 s28, v39;
	s28 =	sadd.s32 $0x260, s6;
	s31 =	sadd.s32 $0x270, s6;
	s9 =	sshrl.u32 s9, $0x3  }
0x1a: {  	v19 =	vor.u32 s6, v39;
	v13 =	vor.u32 s20, v39;
	s20 =	sadd.s32 $0x200, s6;
	s6 =	smax.u32 s7, $0x1;
	v25 =	vor.u32 s15, v39;
	s15 =	simm.s32 $0x50  }
0x1b: {  	v26 =	vor.u32 s16, v39;
	v27 =	vor.u32 s17, v39;
	v28 =	vor.u32 s18, v39;
	s16 =	simm.s32 $0x6800;
	s17 =	simm.s32 $0x3400;
	s18 =	simm.s32 $0x1  }
0x1c: {  	v29 =	vor.u32 s19, v39;
	v30 =	vor.u32 s21, v39;
	v31 =	vor.u32 s22, v39;
	s19 =	simm.s32 $0x6880;
	s21 =	simm.s32 $0x6980;
	s22 =	simm.s32 $0x6A00  }
0x1d: {  	v33 =	vor.u32 s23, v39;
	v34 =	vor.u32 s24, v39;
	v35 =	vor.u32 s25, v39;
	s23 =	simm.s32 $0x6A80;
	s24 =	simm.s32 $0x6B00;
	s25 =	simm.s32 $0x6B80  }
0x1e: {  	v40 =	vimm.f32 $0.0e+00;
	v36 =	vor.u32 s26, v39;
	s26 =	simm.s32 $0x64;
	s4 =	sadd.s32 s5, s4;
	s5 =	sadd.s32 s8, s9  }
0x1f: {  	v20 =	vor.u32 s10, v39;
	v38 =	vor.u32 s28, v39;
	s28 =	simm.s32 $0x0;
	v32 =	vor.u32 s20, v39;
	s20 =	simm.s32 $0x6900;
	s7 =	sadd.s32 $0x500, s5  }
0x20: {  	v21 =	vor.u32 s11, v39;
	v22 =	vor.u32 s29, v39;
	v23 =	vor.u32 s12, v39;
	s8 =	sadd.s32 $0xA00, s5;
	s9 =	sadd.s32 $0xF00, s5;
	s10 =	sadd.s32 $0x1400, s5  }
0x21: {  	v24 =	vor.u32 s13, v39;
	v37 =	vor.u32 s30, v39;
	v39 =	vor.u32 s31, v39;
	s11 =	sadd.s32 $0x1900, s5;
	s12 =	sadd.s32 $0x1E00, s5;
	s13 =	sadd.s32 $0x2300, s5  }
.LBB2_1:
0x22: {  	[tilespmem:$0x6800] =	vst v19  }
0x23: {  	[tilespmem:$0x6810] =	vst v0  }
0x24: {  	[tilespmem:$0x6820] =	vst v1  }
0x25: {  	[tilespmem:$0x6830] =	vst v2  }
0x26: {  	[tilespmem:$0x6840] =	vst v3  }
0x27: {  	[tilespmem:$0x6880] =	vst v4  }
0x28: {  	[tilespmem:$0x6890] =	vst v5  }
0x29: {  	[tilespmem:$0x68A0] =	vst v6  }
0x2a: {  	[tilespmem:$0x68B0] =	vst v7  }
0x2b: {  	[tilespmem:$0x68C0] =	vst v8  }
0x2c: {  	[tilespmem:$0x6900] =	vst v9  }
0x2d: {  	[tilespmem:$0x6910] =	vst v10  }
0x2e: {  	[tilespmem:$0x6920] =	vst v11  }
0x2f: {  	[tilespmem:$0x6930] =	vst v12  }
0x30: {  	[tilespmem:$0x6940] =	vst v13  }
0x31: {  	[tilespmem:$0x6980] =	vst v14  }
0x32: {  	[tilespmem:$0x6990] =	vst v15  }
0x33: {  	[tilespmem:$0x69A0] =	vst v16  }
0x34: {  	[tilespmem:$0x69B0] =	vst v17  }
0x35: {  	[tilespmem:$0x69C0] =	vst v18  }
0x36: {  	[tilespmem:$0x6A00] =	vst v20  }
0x37: {  	[tilespmem:$0x6A10] =	vst v21  }
0x38: {  	[tilespmem:$0x6A20] =	vst v22  }
0x39: {  	[tilespmem:$0x6A30] =	vst v23  }
0x3a: {  	[tilespmem:$0x6A40] =	vst v24  }
0x3b: {  	[tilespmem:$0x6A80] =	vst v25  }
0x3c: {  	[tilespmem:$0x6A90] =	vst v26  }
0x3d: {  	[tilespmem:$0x6AA0] =	vst v27  }
0x3e: {  	[tilespmem:$0x6AB0] =	vst v28  }
0x3f: {  	[tilespmem:$0x6AC0] =	vst v29  }
0x40: {  	[tilespmem:$0x6B00] =	vst v30  }
0x41: {  	[tilespmem:$0x6B10] =	vst v31  }
0x42: {  	[tilespmem:$0x6B20] =	vst v32  }
0x43: {  	[tilespmem:$0x6B30] =	vst v33  }
0x44: {  	[tilespmem:$0x6B40] =	vst v34  }
0x45: {  	[tilespmem:$0x6B80] =	vst v35  }
0x46: {  	[tilespmem:$0x6B90] =	vst v36  }
0x47: {  	[tilespmem:$0x6BA0] =	vst v37  }
0x48: {  	[tilespmem:$0x6BB0] =	vst v38  }
0x49: {  	[tilespmem:$0x6BC0] =	vst v39;
	s29 =	simm.s32 $0x200;
	s30 =	simm.s32 $0x0  }
.LBB2_2:
0x4a: {  	p0 =	sne.s32 s29, $0xC600;
	[tilespmem:s30+$0x3400] =	vst v40;
	s31 =	smov.u32 s29;
	s29 =	sadd.s32 $0x200, s29  }
.Ltmp0:
0x4b: {  	[tilespmem:s30+$0x3410] =	vst v40;
	(pc) =	sbr.rel @p0 .LBB2_2-.Ltmp0, $2  }
0x4c: {  	_ =	sdelay $0x2  }
0x4d: {  	s30 =	sshra.s32 s31, $0x2  }
0x4e: {  	[tilespmem:s30+$0x3400] =	vst v40  }
0x4f: {  	[tilespmem:s30+$0x3410] =	vst v40  }
0x50: {  	[spmem:s2] =	stream.indirect.scatter [tilespmem:s17], [sflag:$0x1], $0x20, s16, s15, $0xb8;
	[tilespmem:$0xBC00] =	vst v63  }
0x51: {  	_ =	swait.ge [sflag:s18], $0xA00  }
0x52: {  	[sflag:s18] =	ssyncset.done $0x0  }
0x53: {  	[sflag:s18] =	ssyncadd.s32 $0xFFFFF600  }
0x54: {  	[spmem:s2] =	stream.indirect.scatter [tilespmem:s17], [sflag:$0x1], $0x20, s19, s15, $0xb8;
	[tilespmem:$0xBC00] =	vst v63  }
0x55: {  	_ =	swait.ge [sflag:s18], $0xA00  }
0x56: {  	[sflag:s18] =	ssyncset.done $0x0  }
0x57: {  	[sflag:s18] =	ssyncadd.s32 $0xFFFFF600  }
0x58: {  	[spmem:s2] =	stream.indirect.scatter [tilespmem:s17], [sflag:$0x1], $0x20, s20, s15, $0xb8;
	[tilespmem:$0xBC00] =	vst v63  }
0x59: {  	_ =	swait.ge [sflag:s18], $0xA00  }
0x5a: {  	[sflag:s18] =	ssyncset.done $0x0  }
0x5b: {  	[sflag:s18] =	ssyncadd.s32 $0xFFFFF600  }
0x5c: {  	[spmem:s2] =	stream.indirect.scatter [tilespmem:s17], [sflag:$0x1], $0x20, s21, s15, $0xb8;
	[tilespmem:$0xBC00] =	vst v63  }
0x5d: {  	_ =	swait.ge [sflag:s18], $0xA00  }
0x5e: {  	[sflag:s18] =	ssyncset.done $0x0  }
0x5f: {  	[sflag:s18] =	ssyncadd.s32 $0xFFFFF600  }
0x60: {  	[spmem:s2] =	stream.indirect.scatter [tilespmem:s17], [sflag:$0x1], $0x20, s22, s15, $0xb8;
	[tilespmem:$0xBC00] =	vst v63  }
0x61: {  	_ =	swait.ge [sflag:s18], $0xA00  }
0x62: {  	[sflag:s18] =	ssyncset.done $0x0  }
0x63: {  	[sflag:s18] =	ssyncadd.s32 $0xFFFFF600  }
0x64: {  	[spmem:s2] =	stream.indirect.scatter [tilespmem:s17], [sflag:$0x1], $0x20, s23, s15, $0xb8;
	[tilespmem:$0xBC00] =	vst v63  }
0x65: {  	_ =	swait.ge [sflag:s18], $0xA00  }
0x66: {  	[sflag:s18] =	ssyncset.done $0x0  }
0x67: {  	[sflag:s18] =	ssyncadd.s32 $0xFFFFF600  }
0x68: {  	[spmem:s2] =	stream.indirect.scatter [tilespmem:s17], [sflag:$0x1], $0x20, s24, s15, $0xb8;
	[tilespmem:$0xBC00] =	vst v63  }
0x69: {  	_ =	swait.ge [sflag:s18], $0xA00  }
0x6a: {  	[sflag:s18] =	ssyncset.done $0x0  }
0x6b: {  	[sflag:s18] =	ssyncadd.s32 $0xFFFFF600  }
0x6c: {  	[spmem:s2] =	stream.indirect.scatter [tilespmem:s17], [sflag:$0x1], $0x20, s25, s15, $0xb8;
	[tilespmem:$0xBC00] =	vst v63  }
0x6d: {  	_ =	swait.ge [sflag:s18], $0xA00  }
0x6e: {  	[sflag:s18] =	ssyncset.done $0x0  }
0x6f: {  	[sflag:s18] =	ssyncadd.s32 $0xFFFFF600  }
0x70: {  	s29 =	simm.s32 $0x0;
	[bflag:$0x0] =	sbarrier.arrive $0xFFFF  }
0x71: {  	[tilespmem:s29], [sflag:$0x1] =	stream.linear.gather [hbm4b:s4+s29], $0x3200, $0x38;
	[tilespmem:$0xBC00] =	vst v63  }
0x72: {  	_ =	swait.ge [sflag:s18], $0x3200  }
0x73: {  	[sflag:s18] =	ssyncset.done $0x0  }
0x74: {  	[sflag:s18] =	ssyncadd.s32 $0xFFFFCE00  }
0x75: {  	[tilespmem:s17], [sflag:$0x1] =	stream.linear.gather [hbm4b:s14+s3], $0x3200, $0x38;
	[tilespmem:$0xBC00] =	vst v63  }
0x76: {  	_ =	swait.ge [sflag:s18], $0x3200  }
0x77: {  	[sflag:s18] =	ssyncset.done $0x0  }
0x78: {  	s29 =	simm.s32 $0x0;
	[sflag:s18] =	ssyncadd.s32 $0xFFFFCE00  }
0x79: {  	[spmem:s2] =	stream.indirect.scatter.add.f32 [tilespmem:s17], [sflag:$0x1], $0x20, s29, s26, $0xb8;
	[tilespmem:$0xBC00] =	vst v63  }
0x7a: {  	_ =	swait.ge [sflag:s18], $0xC80  }
0x7b: {  	s30 =	smov.u32 s14;
	s29 =	simm.s32 $0x200;
	[sflag:s18] =	ssyncset.done $0x0  }
.LBB2_4:
0x7c: {  	p0 =	sne.s32 s29, $0xC600;
	[sflag:s18] =	ssyncadd.s32 $0xFFFFF380;
	s30 =	sadd.s32 $0x680, s30  }
0x7d: {  	[tilespmem:s17], [sflag:$0x1] =	stream.linear.gather [hbm4b:s30+s3], $0x3200, $0x38;
	[tilespmem:$0xBC00] =	vst v63  }
0x7e: {  	s31 =	smov.u32 s29;
	s29 =	sadd.s32 $0x200, s29;
	_ =	swait.ge [sflag:s18], $0x3200  }
.Ltmp1:
0x7f: {  	[sflag:s18] =	ssyncset.done $0x0;
	(pc) =	sbr.rel @p0 .LBB2_4-.Ltmp1, $4  }
0x80: {  	s31 =	sshra.s32 s31, $0x2;
	[sflag:s18] =	ssyncadd.s32 $0xFFFFCE00  }
0x81: {  	[spmem:s2] =	stream.indirect.scatter.add.f32 [tilespmem:s17], [sflag:$0x1], $0x20, s31, s26, $0xb8;
	[tilespmem:$0xBC00] =	vst v63  }
0x82: {  	_ =	swait.ge [sflag:s18], $0xC80  }
0x83: {  	[sflag:s18] =	ssyncset.done $0x0  }
0x84: {  	[sflag:s18] =	ssyncadd.s32 $0xFFFFF380  }
0x85: {  	[bflag:$0x0] =	sbarrier.arrive $0xFFFF  }
0x86: {  	[tilespmem:s17], [sflag:$0x1] =	stream.indirect.gather [spmem:s2], $0x20, s16, s15, $0xb8;
	[tilespmem:$0xBC00] =	vst v63  }
0x87: {  	_ =	swait.ge [sflag:s18], $0xA00  }
0x88: {  	[sflag:s18] =	ssyncset.done $0x0  }
0x89: {  	[sflag:s18] =	ssyncadd.s32 $0xFFFFF600  }
0x8a: {  	[hbm4b:s5+s3] =	stream.linear.scatter [tilespmem:s17], [sflag:$0x1], $0x2800, $0x38;
	[tilespmem:$0xBC00] =	vst v63  }
0x8b: {  	_ =	swait.ge [sflag:s18], $0x2800  }
0x8c: {  	[sflag:s18] =	ssyncset.done $0x0  }
0x8d: {  	[sflag:s18] =	ssyncadd.s32 $0xFFFFD800  }
0x8e: {  	[tilespmem:s17], [sflag:$0x1] =	stream.indirect.gather [spmem:s2], $0x20, s19, s15, $0xb8;
	[tilespmem:$0xBC00] =	vst v63  }
0x8f: {  	_ =	swait.ge [sflag:s18], $0xA00  }
0x90: {  	[sflag:s18] =	ssyncset.done $0x0  }
0x91: {  	[sflag:s18] =	ssyncadd.s32 $0xFFFFF600  }
0x92: {  	[hbm4b:s7+s3] =	stream.linear.scatter [tilespmem:s17], [sflag:$0x1], $0x2800, $0x38;
	[tilespmem:$0xBC00] =	vst v63  }
0x93: {  	_ =	swait.ge [sflag:s18], $0x2800  }
0x94: {  	[sflag:s18] =	ssyncset.done $0x0  }
0x95: {  	[sflag:s18] =	ssyncadd.s32 $0xFFFFD800  }
0x96: {  	[tilespmem:s17], [sflag:$0x1] =	stream.indirect.gather [spmem:s2], $0x20, s20, s15, $0xb8;
	[tilespmem:$0xBC00] =	vst v63  }
0x97: {  	_ =	swait.ge [sflag:s18], $0xA00  }
0x98: {  	[sflag:s18] =	ssyncset.done $0x0  }
0x99: {  	[sflag:s18] =	ssyncadd.s32 $0xFFFFF600  }
0x9a: {  	[hbm4b:s8+s3] =	stream.linear.scatter [tilespmem:s17], [sflag:$0x1], $0x2800, $0x38;
	[tilespmem:$0xBC00] =	vst v63  }
0x9b: {  	_ =	swait.ge [sflag:s18], $0x2800  }
0x9c: {  	[sflag:s18] =	ssyncset.done $0x0  }
0x9d: {  	[sflag:s18] =	ssyncadd.s32 $0xFFFFD800  }
0x9e: {  	[tilespmem:s17], [sflag:$0x1] =	stream.indirect.gather [spmem:s2], $0x20, s21, s15, $0xb8;
	[tilespmem:$0xBC00] =	vst v63  }
0x9f: {  	_ =	swait.ge [sflag:s18], $0xA00  }
0xa0: {  	[sflag:s18] =	ssyncset.done $0x0  }
0xa1: {  	[sflag:s18] =	ssyncadd.s32 $0xFFFFF600  }
0xa2: {  	[hbm4b:s9+s3] =	stream.linear.scatter [tilespmem:s17], [sflag:$0x1], $0x2800, $0x38;
	[tilespmem:$0xBC00] =	vst v63  }
0xa3: {  	_ =	swait.ge [sflag:s18], $0x2800  }
0xa4: {  	[sflag:s18] =	ssyncset.done $0x0  }
0xa5: {  	[sflag:s18] =	ssyncadd.s32 $0xFFFFD800  }
0xa6: {  	[tilespmem:s17], [sflag:$0x1] =	stream.indirect.gather [spmem:s2], $0x20, s22, s15, $0xb8;
	[tilespmem:$0xBC00] =	vst v63  }
0xa7: {  	_ =	swait.ge [sflag:s18], $0xA00  }
0xa8: {  	[sflag:s18] =	ssyncset.done $0x0  }
0xa9: {  	[sflag:s18] =	ssyncadd.s32 $0xFFFFF600  }
0xaa: {  	[hbm4b:s10+s3] =	stream.linear.scatter [tilespmem:s17], [sflag:$0x1], $0x2800, $0x38;
	[tilespmem:$0xBC00] =	vst v63  }
0xab: {  	_ =	swait.ge [sflag:s18], $0x2800  }
0xac: {  	[sflag:s18] =	ssyncset.done $0x0  }
0xad: {  	[sflag:s18] =	ssyncadd.s32 $0xFFFFD800  }
0xae: {  	[tilespmem:s17], [sflag:$0x1] =	stream.indirect.gather [spmem:s2], $0x20, s23, s15, $0xb8;
	[tilespmem:$0xBC00] =	vst v63  }
0xaf: {  	_ =	swait.ge [sflag:s18], $0xA00  }
0xb0: {  	[sflag:s18] =	ssyncset.done $0x0  }
0xb1: {  	[sflag:s18] =	ssyncadd.s32 $0xFFFFF600  }
0xb2: {  	[hbm4b:s11+s3] =	stream.linear.scatter [tilespmem:s17], [sflag:$0x1], $0x2800, $0x38;
	[tilespmem:$0xBC00] =	vst v63  }
0xb3: {  	_ =	swait.ge [sflag:s18], $0x2800  }
0xb4: {  	[sflag:s18] =	ssyncset.done $0x0  }
0xb5: {  	[sflag:s18] =	ssyncadd.s32 $0xFFFFD800  }
0xb6: {  	[tilespmem:s17], [sflag:$0x1] =	stream.indirect.gather [spmem:s2], $0x20, s24, s15, $0xb8;
	[tilespmem:$0xBC00] =	vst v63  }
0xb7: {  	_ =	swait.ge [sflag:s18], $0xA00  }
0xb8: {  	[sflag:s18] =	ssyncset.done $0x0  }
0xb9: {  	[sflag:s18] =	ssyncadd.s32 $0xFFFFF600  }
0xba: {  	[hbm4b:s12+s3] =	stream.linear.scatter [tilespmem:s17], [sflag:$0x1], $0x2800, $0x38;
	[tilespmem:$0xBC00] =	vst v63  }
0xbb: {  	_ =	swait.ge [sflag:s18], $0x2800  }
0xbc: {  	[sflag:s18] =	ssyncset.done $0x0  }
0xbd: {  	[sflag:s18] =	ssyncadd.s32 $0xFFFFD800  }
0xbe: {  	[tilespmem:s17], [sflag:$0x1] =	stream.indirect.gather [spmem:s2], $0x20, s25, s15, $0xb8;
	[tilespmem:$0xBC00] =	vst v63  }
0xbf: {  	s28 =	sadd.s32 $0x1, s28;
	_ =	swait.ge [sflag:s18], $0xA00  }
0xc0: {  	p0 =	sne.s32 s28, s6;
	[sflag:s18] =	ssyncset.done $0x0  }
.Ltmp2:
0xc1: {  	[sflag:s18] =	ssyncadd.s32 $0xFFFFF600;
	(pc) =	sbr.rel @p0 .LBB2_1-.Ltmp2, $4  }
0xc2: {  	[hbm4b:s13+s3] =	stream.linear.scatter [tilespmem:s17], [sflag:$0x1], $0x2800, $0x38;
	[tilespmem:$0xBC00] =	vst v63  }
0xc3: {  	_ =	swait.ge [sflag:s18], $0x2800  }
0xc4: {  	[sflag:s18] =	ssyncset.done $0x0  }
0xc5: {  	[sflag:s18] =	ssyncadd.s32 $0xFFFFD800  }
0xc6: {  	_ =	sfence.sel $0x180000  }
0xc7: {  	[bflag:$0x0] =	sbarrier.arrive $0xFFFF  }
0xc8: {  	p0 =	sne.s32 s1, $0x0;
	_ =	strace $0x90000047  }
0xc9: {  	s0 =	sadd.s32 @!p0 $0x100000, s0;
	[bflag:$0x2] =	sbarrier.arrive $0xFFFF  }
0xca: {  	[sflag:s0] =	ssyncadd.tile.s32 @!p0 $0x1;
	_ =	shalt  }
.Lfunc_end2:
_tile_overlayer_lowered:
.L_overlay_start_2:
0xcb: {  	(tag) =	ssettag $0x2  }
0xcc: {  	s0 =	rddreg [dreg:$0x0];
	s2 =	stileid.u32  }
0xcd: {  	s1 =	rddreg [dreg:$0x1];
	p0 =	sne.s32 s2, $0x0  }
0xce: {  	s3 =	rddreg [dreg:$0x2];
	[bflag:$0x3] =	sbarrier.arrive $0xFFFF;
	s2 =	simm.s32 @!p0 $0x1C01  }
0xcf: {  	[timem:s3], [sflag:s2] =	dma.local @!p0 [hbm:s0], s1  }
0xd0: {  	s0 =	simm.s32 @!p0 $0x1  }
0xd1: {  	_ =	swait.ge @!p0 [sflag:s0], s1  }
0xd2: {  	s1 =	ssub.s32 @!p0 $0x0, s1;
	[sflag:s0] =	ssyncset.done @!p0 $0x0  }
0xd3: {  	[sflag:s0] =	ssyncadd.s32 @!p0 s1  }
0xd4: {  	[bflag:$0x3] =	sbarrier.arrive $0xFFFF  }
0xd5: {  	_ =	shalt  }

// kernel: kernel.8.cloned.1.call-start
scs
__scs_entry_jumppad:
0x0: {  	(pc) =	sbr.rel $0x88, $3  }
0x1: {  	(tag) =	ssettag $0x0;
	lr =	simm.s32 $0x1  }
0x2: {  	[smem:$0x3F9A] =	sst lr;
	_ =	strace $0xD0000000  }
0x3: {  	_ = 	snop  }
0x4: {  	_ = 	snop  }
0x5: {  	_ = 	snop  }
0x6: {  	_ = 	snop  }
0x7: {  	_ = 	snop  }
__scs_overlays_trampoline_lowered:
0x8: {  	[smem:$0x3FA9] =	sst s0  }
0x9: {  	[smem:$0x3FAA] =	sst s1  }
0xa: {  	[smem:$0x3FAB] =	sst s2  }
0xb: {  	[smem:$0x3FAC] =	sst s3  }
0xc: {  	[smem:$0x3FAD] =	sst s4  }
0xd: {  	[smem:$0x3FAE] =	sst s5  }
0xe: {  	[smem:$0x3FAF] =	sst s6  }
0xf: {  	[smem:$0x3FB0] =	sst s7  }
0x10: {  	[smem:$0x3FB1] =	sst s8  }
0x11: {  	[smem:$0x3FB2] =	sst s9;
	s0 =	simm.s32 @!p0 $0x0  }
0x12: {  	s1 =	sld [smem:$0x3F98];
	s0 =	simm.s32 @p0 $0x1  }
0x13: {  	[smem:$0x3FB3] =	sst s0;
	s0 =	simm.s32 @!p1 $0x0  }
0x14: {  	s2 =	sld [smem:$0x3F97];
	s0 =	simm.s32 @p1 $0x1  }
0x15: {  	[smem:$0x3FB4] =	sst s0;
	s0 =	simm.s32 @!p2 $0x0  }
0x16: {  	s3 =	sld [smem:$0x3FDB];
	s0 =	simm.s32 @p2 $0x1  }
0x17: {  	s4 =	simm.s32 $0x1BF5;
	[smem:$0x3FB6] =	sst s0  }
0x18: {  	s0 =	sld [smem:$0x3F99];
	_ =	swait.ge [sflag:s4], $0x0  }
0x19: {  	s7 =	sld [smem:$0x3F9A]  }
0x1a: {  	s8 =	sadd.s32 $0xFFFFE003, lr  }
0x1b: {  	s9 =	sadd.s32 $0xFFFFFEF7, lr;
	s5 =	simm.s32 $0xFFFFFFFF;
	p2 =	slt.u32 s8, $0xFFFFF086  }
0x1c: {  	p1 =	slt.u32 s9, $0xF7A;
	s5 =	simm.s32 @!p2 $0x0  }
0x1d: {  	s5 =	simm.s32 @p1 $0x1;
	p0 =	seq.s32 s7, s2  }
0x1e: {  	s7 =	smul.u32 @!p0 $0xF7A, s2;
	p2 =	seq.s32 @!p0 s5, $0x0  }
0x1f: {  	s9 =	smul.u32 $0xF7A, s1;
	s8 =	simm.s32 @!p0 $0x1BF5;
	p2 =	por !p2, p0  }
0x20: {  	[sflag:s8] =	ssyncset.s32 @!p0 $0xFFFFF086;
	s6 =	sadd.s32 @!p0 s3, s7;
	s7 =	simm.s32 @!p0 $0x108  }
0x21: {  	s3 =	sadd.s32 s3, s9;
	s6 =	sadd.s32 @!p0 $0x88, s6;
	s7 =	simm.s32 @p2 $0x1082  }
0x22: {  	[simem:s7], [sflag:s8] =	dma.local @!p0 [hbm:s6], $0xF7A  }
0x23: {  	s9 =	sor.u32 $0xD0000000, s2;
	s6 =	simm.s32 $0x108;
	_ =	swait.ge @!p0 [sflag:s8], $0x0  }
0x24: {  	s3 =	sadd.s32 $0x88, s3;
	s6 =	simm.s32 @!p1 $0x1082;
	[sflag:s4] =	ssyncset.s32 $0xFFFFF086  }
0x25: {  	[simem:s6], [sflag:s4] =	dma.local [hbm:s3], $0xF7A  }
0x26: {  	[smem:$0x3F9A] =	sst s1;
	(tag) =	ssettag s2;
	_ =	strace s9  }
0x27: {  	s1 =	sld [smem:$0x3FAA]  }
0x28: {  	s2 =	sld [smem:$0x3FAB]  }
0x29: {  	s4 =	sld [smem:$0x3FAD]  }
0x2a: {  	p0 =	seq.s32 s5, $0x0;
	s5 =	sld [smem:$0x3FAE]  }
0x2b: {  	s6 =	sld [smem:$0x3FAF]  }
0x2c: {  	s7 =	sld [smem:$0x3FB0]  }
0x2d: {  	s3 =	simm.s32 $0x108;
	s8 =	sld [smem:$0x3FB1]  }
0x2e: {  	s3 =	simm.s32 @!p0 $0x1082;
	s9 =	sld [smem:$0x3FB2]  }
0x2f: {  	lr =	sadd.s32 s0, s3;
	s0 =	sld [smem:$0x3FA9]  }
0x30: {  	s3 =	sld [smem:$0x3FAC]  }
0x31: {  	[smem:$0x3FB5] =	sst s10  }
0x32: {  	s10 =	sld [smem:$0x3FB3];
	_ =	sdelay $0x3  }
0x33: {  	p0 =	seq.s32 s10, $0x1;
	s10 =	sld [smem:$0x3FB5];
	_ =	sdelay $0x3  }
0x34: {  	[smem:$0x3FB5] =	sst s10  }
0x35: {  	s10 =	sld [smem:$0x3FB4];
	_ =	sdelay $0x3  }
0x36: {  	p1 =	seq.s32 s10, $0x1;
	s10 =	sld [smem:$0x3FB5];
	_ =	sdelay $0x3  }
0x37: {  	[smem:$0x3FB5] =	sst s10  }
0x38: {  	s10 =	sld [smem:$0x3FB6]  }
0x39: {  	_ = 	snop;
	(pc) =	sbr.ind lr, $3  }
0x3a: {  	_ = 	snop  }
0x3b: {  	_ = 	snop  }
0x3c: {  	p2 =	seq.s32 s10, $0x1;
	s10 =	sld [smem:$0x3FB5]  }
0x3d: {  	_ =	shalt  }
0x3e: {  	_ =	shalt  }
0x3f: {  	_ =	shalt  }
0x40: {  	_ =	shalt  }
0x41: {  	_ =	shalt  }
0x42: {  	_ =	shalt  }
0x43: {  	_ =	shalt  }
0x44: {  	_ =	shalt  }
0x45: {  	_ =	shalt  }
0x46: {  	_ =	shalt  }
0x47: {  	_ =	shalt  }
0x48: {  	_ =	shalt  }
0x49: {  	_ =	shalt  }
0x4a: {  	_ =	shalt  }
0x4b: {  	_ =	shalt  }
0x4c: {  	_ =	shalt  }
0x4d: {  	_ =	shalt  }
0x4e: {  	_ =	shalt  }
0x4f: {  	_ =	shalt  }
0x50: {  	_ =	shalt  }
0x51: {  	_ =	shalt  }
0x52: {  	_ =	shalt  }
0x53: {  	_ =	shalt  }
0x54: {  	_ =	shalt  }
0x55: {  	_ =	shalt  }
0x56: {  	_ =	shalt  }
0x57: {  	_ =	shalt  }
0x58: {  	_ =	shalt  }
0x59: {  	_ =	shalt  }
0x5a: {  	_ =	shalt  }
0x5b: {  	_ =	shalt  }
0x5c: {  	_ =	shalt  }
0x5d: {  	_ =	shalt  }
0x5e: {  	_ =	shalt  }
0x5f: {  	_ =	shalt  }
0x60: {  	_ =	shalt  }
0x61: {  	_ =	shalt  }
0x62: {  	_ =	shalt  }
0x63: {  	_ =	shalt  }
0x64: {  	_ =	shalt  }
0x65: {  	_ =	shalt  }
0x66: {  	_ =	shalt  }
0x67: {  	_ =	shalt  }
0x68: {  	_ =	shalt  }
0x69: {  	_ =	shalt  }
0x6a: {  	_ =	shalt  }
0x6b: {  	_ =	shalt  }
0x6c: {  	_ =	shalt  }
0x6d: {  	_ =	shalt  }
0x6e: {  	_ =	shalt  }
0x6f: {  	_ =	shalt  }
0x70: {  	_ =	shalt  }
0x71: {  	_ =	shalt  }
0x72: {  	_ =	shalt  }
0x73: {  	_ =	shalt  }
0x74: {  	_ =	shalt  }
0x75: {  	_ =	shalt  }
0x76: {  	_ =	shalt  }
0x77: {  	_ =	shalt  }
0x78: {  	_ =	shalt  }
0x79: {  	_ =	shalt  }
0x7a: {  	_ =	shalt  }
0x7b: {  	_ =	shalt  }
0x7c: {  	_ =	shalt  }
0x7d: {  	_ =	shalt  }
0x7e: {  	_ =	shalt  }
0x7f: {  	_ =	shalt  }
0x80: {  	_ =	shalt  }
0x81: {  	_ =	shalt  }
0x82: {  	_ =	shalt  }
0x83: {  	_ =	shalt  }
0x84: {  	_ =	shalt  }
0x85: {  	_ =	shalt  }
0x86: {  	_ =	shalt  }
0x87: {  	_ =	shalt  }
.Lfunc_end0:
.L_simem_size_0:
called_computation.1_lowered:
.L_overlay_start_0:
0x88: {  	s2 =	sld [smem:$0x3FD9]  }
0x89: {  	s3 =	sld [smem:$0x3FFE];
	_ =	sdelay $0x1  }
0x8a: {  	s1 =	srdreg.scid  }
0x8b: {  	s0 =	sand.u32 $0x1, s1  }
0x8c: {  	s14 =	sshll.u32 s0, $0xA;
	s2 =	sadd.s32 s3, s2  }
0x8d: {  	s2 =	sadd.s32 s2, s14  }
0x8e: {  	[smem:$0x3FC1] =	sst s2  }
0x8f: {  	_ = 	snop  }
0x90: {  	s2 =	sld [smem:$0x3FD0];
	_ =	sdelay $0x2  }
0x91: {  	s15 =	simm.s32 $0xA;
	s4 =	simm.s32 $0x10  }
0x92: {  	[smem:s4], [sflag:s15] =	dma.local [hbm:s2], $0x1  }
0x93: {  	_ =	swait.eq [sflag:s15], $0x1  }
0x94: {  	[sflag:s15] =	ssyncset.done $0x0  }
0x95: {  	[sflag:s15] =	ssyncadd.s32 $0xFFFFFFFF  }
0x96: {  	s16 =	sld [smem:$0x11];
	(tm) =	ssettm $0x1  }
0x97: {  	s17 =	sld [smem:$0x3FFB];
	_ =	sdelay $0x3  }
0x98: {  	_ =	strace s17  }
0x99: {  	s3 =	sld [smem:$0x3FFC];
	_ =	sdelay $0x3  }
0x9a: {  	_ =	strace s3  }
0x9b: {  	s3 =	sld [smem:$0x3FFD];
	_ =	sdelay $0x3  }
0x9c: {  	_ =	strace s3  }
0x9d: {  	_ =	strace $0x8FFFFFFF  }
0x9e: {  	s18 =	sld [smem:$0x3FDB];
	_ =	sdelay $0x1  }
0x9f: {  	s19 =	simm.s32 $_scs_section_size  }
0xa0: {  	s5 =	simm.s32 $_size__tile_overlayer_lowered;
	s6 =	simm.s32 $_tile_overlayer_lowered  }
0xa1: {  	s22 =	simm.s32 $0x1BFF;
	s21 =	sshll.u32 s6, $0x1;
	s3 =	sadd.s32 s19, s18  }
0xa2: {  	s7 =	simm.s32 $0x0;
	s20 =	sshll.u32 s5, $0x1;
	s5 =	sadd.s32 s21, s3  }
0xa3: {  	[timem:s7], [sflag:s22] =	dma.local [hbm:s5], s20  }
0xa4: {  	_ =	swait.ge [sflag:s22], s20  }
0xa5: {  	s4 =	ssub.s32 $0x0, s20;
	[sflag:s22] =	ssyncset.done $0x0  }
0xa6: {  	[sflag:s22] =	ssyncadd.s32 s4;
	_ =	sdelay $0x1  }
0xa7: {  	s23 =	simm.s32 $0x1B8B  }
0xa8: {  	_ =	swait.ge [sflag:s23], $0x1  }
0xa9: {  	[sflag:s23] =	ssyncset.done $0x0  }
0xaa: {  	s25 =	simm.s32 $0x1B8E;
	s24 =	sld [smem:$0x3FFE];
	[sflag:s23] =	ssyncadd.s32 $0xFFFFFFFF  }
0xab: {  	s26 =	simm.s32 $execute0_lowered;
	[smem:$0x3FD2] =	sst s25  }
0xac: {  	s5 =	sshll.u32 s26, $0x1;
	_ =	strace $0x80000049;
	[dreg:$0x1] =	wrdreg $0xFFFFFFFF  }
0xad: {  	s28 =	simm.s32 $_size_execute0_lowered;
	s3 =	sadd.s32 s3, s5;
	[dreg:$0x0] =	wrdreg $0x0  }
0xae: {  	s5 =	sshll.u32 s28, $0x1;
	[dreg:$0x2] =	wrdreg s3  }
0xaf: {  	[dreg:$0x3] =	wrdreg s5  }
0xb0: {  	[dreg:$0x4] =	wrdreg $0xC0  }
0xb1: {  	_ =	task [dreg:s7], $0x5FFFF  }
0xb2: {  	[dreg:$0x1] =	wrdreg $0xFFFFFFFF  }
0xb3: {  	[dreg:$0x0] =	wrdreg $0x60  }
0xb4: {  	[dreg:$0x2] =	wrdreg s24  }
0xb5: {  	[dreg:$0x3] =	wrdreg s16  }
0xb6: {  	[dreg:$0x4] =	wrdreg $0x9  }
0xb7: {  	_ =	task.clear_ibuf [dreg:s7], $0x5FFFF;
	_ =	strace $0x90000049  }
0xb8: {  	s29 =	simm.s32 $0x9;
	_ =	strace $0x8000004B  }
0xb9: {  	_ =	swait.ge [sflag:s29], $0x1  }
0xba: {  	[sflag:s29] =	ssyncadd.s32 $0xFFFFFFFF  }
0xbb: {  	_ =	strace $0x9000004B  }
0xbc: {  	_ =	sfence  }
0xbd: {  	s30 =	sld [smem:$0x0];
	_ =	sdelay $0x2  }
0xbe: {  	s31 =	sshll.u32 s1, $0xD;
	s1 =	sshrl.u32 s1, $0x2  }
0xbf: {  	s3 =	sand.u32 $0x4000, s31;
	s1 =	sadd.s32 s1, s30  }
0xc0: {  	s0 =	sor.u32 s3, s0;
	s1 =	sshll.u32 s1, $0x11  }
0xc1: {  	s0 =	sor.u32 s1, s0  }
0xc2: {  	s0 =	sadd.s32 $0x8F2B, s0  }
0xc3: {  	[sflag:s0] =	ssyncadd.remote.s32 $0x1  }
0xc4: {  	_ =	sfence.sel $0xFFFF  }
0xc5: {  	[dreg:$0x0] =	wrdreg $0xFFFFFFFF;
	(pc) =	sbr.abs _section_cstart, $3  }
0xc6: {  	[dreg:$0x1] =	wrdreg $0xFFFFFFFF  }
0xc7: {  	_ =	task.clear_ibuf [dreg:s7], $0x2FFFF;
	_ =	strace $0x9FFFFFFF  }
0xc8: {  	(tm) =	ssettm $0x7FFFFFFF  }
0xc9: {  	_ =	shalt  }
tec
execute0_lowered:
.L_overlay_start_1:
0x0: {  	(tag) =	ssettag $0x1  }
0x1: {  	s5 =	rddreg [dreg:$0x0]  }
0x2: {  	s1 =	rddreg [dreg:$0x1]  }
0x3: {  	s2 =	srdreg.scid;
	s0 =	rddreg [dreg:$0x2]  }
0x4: {  	s3 =	simm.s32 $0x0;
	s11 =	simm.s32 $0x8000;
	s12 =	simm.s32 $0x50  }
0x5: {  	s13 =	simm.s32 $0x10000;
	s14 =	simm.s32 $0x12800;
	s15 =	simm.s32 $0x15000  }
0x6: {  	s16 =	simm.s32 $0x17800;
	s17 =	simm.s32 $0x1;
	s18 =	simm.s32 $0x2  }
0x7: {  	s19 =	simm.s32 $0x3;
	s20 =	simm.s32 $0x4;
	s4 =	sand.u32 $0x1, s2  }
0x8: {  	s21 =	simm.s32 $0x0;
	s2 =	stileid.u32;
	s6 =	sshll.u32 s4, $0x4  }
0x9: {  	[smem:$0x7FF] =	sst s3;
	s7 =	ssub.s32 $0x2, s4;
	s8 =	sor.u32 s2, s6  }
0xa: {  	_ =	strace $0x8000004A;
	s31 =	sshrl.u32 s7, $0x1;
	s6 =	sshll.u32 s8, $0xC  }
0xb: {  	s4 =	sadd.s32 $0x1400, s5;
	s10 =	ssub.s32 s7, s31;
	s9 =	sadd.s32 s6, s5  }
0xc: {  	s8 =	smul.u32 $0x4E20, s8;
	s5 =	sadd.s32 $0x4F600, s5;
	s6 =	sadd.s32 $0x549000, s9  }
0xd: {  	s7 =	sadd.s32 $0x529000, s9;
	s9 =	smax.u32 s10, $0x1;
	s10 =	simm.s32 $0x5  }
.LBB2_1:
0xe: {  	[tilespmem:s3], [sflag:$0x5] =	stream.linear.gather [hbm4b:s6+s3], $0x7D00, $0x38;
	[tilespmem:$0x1A000] =	vst v63  }
0xf: {  	_ =	swait.ge [sflag:s10], $0x7D00  }
0x10: {  	[sflag:s10] =	ssyncset.done $0x0  }
0x11: {  	[sflag:s10] =	ssyncadd.s32 $0xFFFF8300  }
0x12: {  	[tilespmem:s11], [sflag:$0x5] =	stream.linear.gather [hbm4b:s7+s3], $0x7D00, $0x38;
	[tilespmem:$0x1A000] =	vst v63  }
0x13: {  	_ =	swait.ge [sflag:s10], $0x7D00  }
0x14: {  	[sflag:s10] =	ssyncset.done $0x0  }
0x15: {  	[sflag:s10] =	ssyncadd.s32 $0xFFFF8300  }
0x16: {  	[tilespmem:s13], [sflag:$0x1] =	stream.indirect.gather [hbm4b:s4+s12], $0x80, s3, s12, $0xb8;
	[tilespmem:$0x1A000] =	vst v63  }
0x17: {  	s22 =	simm.s32 $0x0  }
0x18: {  	[tilespmem:s14], [sflag:$0x1] =	stream.indirect.gather [hbm4b:s5+s12], $0x80, s11, s12, $0xb8;
	[tilespmem:$0x1A000] =	vst v63  }
.LBB2_2:
0x19: {  	p0 =	seq.s32 s22, $0x0  }
0x1a: {  	s24 =	simm.s32 @!p0 $0x4  }
0x1b: {  	_ =	swait.ge @!p0 [sflag:s24], $0x2800  }
0x1c: {  	s23 =	sshllo.u32 s22, $0x1;
	[sflag:s24] =	ssyncset.done @!p0 $0x0  }
0x1d: {  	s31 =	sshll.u32 s23, $0x7;
	[sflag:s24] =	ssyncadd.s32 @!p0 $0xFFFFD800  }
0x1e: {  	[tilespmem:s15], [sflag:$0x2] =	stream.indirect.gather [hbm4b:s4+s12], $0x80, s31, s12, $0xb8;
	[tilespmem:$0x1A000] =	vst v63  }
0x1f: {  	s24 =	sadd.s32 $0x8000, s31  }
0x20: {  	[tilespmem:s16], [sflag:$0x2] =	stream.indirect.gather [hbm4b:s5+s12], $0x80, s24, s12, $0xb8;
	[tilespmem:$0x1A000] =	vst v63  }
0x21: {  	_ =	swait.ge [sflag:s17], $0x2800  }
0x22: {  	[sflag:s17] =	ssyncset.done $0x0  }
0x23: {  	[sflag:s17] =	ssyncadd.s32 $0xFFFFD800  }
0x24: {  	_ =	swait.ge [sflag:s17], $0x2800  }
0x25: {  	[sflag:s17] =	ssyncset.done $0x0  }
0x26: {  	s24 =	simm.s32 $0x0;
	[sflag:s17] =	ssyncadd.s32 $0xFFFFD800  }
0x27: {  	v6 =	vld [tilespmem:s24+$0x12800]  }
0x28: {  	v11 =	vld [tilespmem:s24+$0x12810]  }
0x29: {  	v5 =	vld [tilespmem:s24+$0x12820]  }
0x2a: {  	v4 =	vld [tilespmem:s24+$0x12830]  }
0x2b: {  	v3 =	vld [tilespmem:s24+$0x12840]  }
0x2c: {  	v2 =	vld [tilespmem:s24+$0x12850]  }
0x2d: {  	v1 =	vld [tilespmem:s24+$0x12860]  }
0x2e: {  	v0 =	vld [tilespmem:s24+$0x12870]  }
0x2f: {  	v12 =	vld [tilespmem:s24+$0x10000]  }
0x30: {  	v13 =	vld [tilespmem:s24+$0x10010]  }
0x31: {  	v10 =	vld [tilespmem:s24+$0x10020]  }
0x32: {  	v9 =	vld [tilespmem:s24+$0x10030]  }
0x33: {  	v8 =	vld [tilespmem:s24+$0x10040]  }
0x34: {  	v7 =	vld [tilespmem:s24+$0x10050];
	v12 =	vadd.f32 v6, v12  }
0x35: {  	s25 =	simm.s32 $0x200;
	v11 =	vadd.f32 v11, v13;
	v6 =	vld [tilespmem:s24+$0x10060]  }
.LBB2_3:
0x36: {  	s26 =	sshra.s32 s25, $0x2;
	p0 =	sne.s32 s25, $0x9E00;
	[tilespmem:s24+$0x10000] =	vst v12;
	v5 =	vadd.f32 v5, v10;
	v10 =	vld [tilespmem:s24+$0x10070]  }
0x37: {  	v12 =	vld [tilespmem:s26+$0x12800];
	[tilespmem:s24+$0x10010] =	vst v11;
	v4 =	vadd.f32 v4, v9  }
0x38: {  	v11 =	vld [tilespmem:s26+$0x12810];
	[tilespmem:s24+$0x10020] =	vst v5;
	v3 =	vadd.f32 v3, v8  }
0x39: {  	v5 =	vld [tilespmem:s26+$0x12820];
	[tilespmem:s24+$0x10030] =	vst v4;
	v2 =	vadd.f32 v2, v7  }
0x3a: {  	v4 =	vld [tilespmem:s26+$0x12830];
	[tilespmem:s24+$0x10040] =	vst v3;
	v1 =	vadd.f32 v1, v6  }
0x3b: {  	v3 =	vld [tilespmem:s26+$0x12840];
	[tilespmem:s24+$0x10050] =	vst v2;
	v0 =	vadd.f32 v0, v10  }
0x3c: {  	v2 =	vld [tilespmem:s26+$0x12850];
	[tilespmem:s24+$0x10060] =	vst v1  }
0x3d: {  	v1 =	vld [tilespmem:s26+$0x12860];
	[tilespmem:s24+$0x10070] =	vst v0;
	s24 =	smov.u32 s26  }
0x3e: {  	v0 =	vld [tilespmem:s24+$0x12870]  }
0x3f: {  	v6 =	vld [tilespmem:s24+$0x10000]  }
0x40: {  	v13 =	vld [tilespmem:s24+$0x10010]  }
.Ltmp0:
0x41: {  	v10 =	vld [tilespmem:s24+$0x10020];
	(pc) =	sbr.rel @p0 .LBB2_3-.Ltmp0, $4  }
0x42: {  	v9 =	vld [tilespmem:s24+$0x10030]  }
0x43: {  	v8 =	vld [tilespmem:s24+$0x10040]  }
0x44: {  	v12 =	vadd.f32 v12, v6;
	v7 =	vld [tilespmem:s24+$0x10050]  }
0x45: {  	s25 =	sadd.s32 $0x200, s25;
	v11 =	vadd.f32 v11, v13;
	v6 =	vld [tilespmem:s24+$0x10060]  }
0x46: {  	[tilespmem:s24+$0x10000] =	vst v12;
	v5 =	vadd.f32 v5, v10;
	v10 =	vld [tilespmem:s24+$0x10070]  }
0x47: {  	[tilespmem:s24+$0x10010] =	vst v11;
	v4 =	vadd.f32 v4, v9  }
0x48: {  	[tilespmem:s24+$0x10020] =	vst v5;
	v3 =	vadd.f32 v3, v8  }
0x49: {  	s25 =	smul.u32 $0xA0, s22;
	[tilespmem:s24+$0x10030] =	vst v4;
	v2 =	vadd.f32 v2, v7  }
0x4a: {  	[tilespmem:s24+$0x10040] =	vst v3;
	v1 =	vadd.f32 v1, v6  }
0x4b: {  	s25 =	sadd.s32 s8, s25;
	[tilespmem:s24+$0x10050] =	vst v2;
	v0 =	vadd.f32 v0, v10  }
0x4c: {  	s25 =	sshll.u32 s25, $0x4;
	[tilespmem:s24+$0x10060] =	vst v1  }
0x4d: {  	s31 =	simm.s32 $0x0;
	s30 =	sadd.s32 s1, s25;
	[tilespmem:s24+$0x10070] =	vst v0  }
0x4e: {  	[hbm4b:s30+s31] =	stream.linear.scatter [tilespmem:s13], [sflag:$0x3], $0x2800, $0x38;
	[tilespmem:$0x1A000] =	vst v63  }
0x4f: {  	_ =	swait.ge [sflag:s18], $0x2800  }
0x50: {  	[sflag:s18] =	ssyncset.done $0x0  }
0x51: {  	[sflag:s18] =	ssyncadd.s32 $0xFFFFD800  }
0x52: {  	_ =	swait.ge [sflag:s18], $0x2800  }
0x53: {  	[sflag:s18] =	ssyncset.done $0x0  }
0x54: {  	s24 =	simm.s32 $0x0;
	[sflag:s18] =	ssyncadd.s32 $0xFFFFD800  }
0x55: {  	v7 =	vld [tilespmem:s24+$0x17800]  }
0x56: {  	v11 =	vld [tilespmem:s24+$0x17810]  }
0x57: {  	v5 =	vld [tilespmem:s24+$0x17820]  }
0x58: {  	v4 =	vld [tilespmem:s24+$0x17830]  }
0x59: {  	v3 =	vld [tilespmem:s24+$0x17840]  }
0x5a: {  	v2 =	vld [tilespmem:s24+$0x17850]  }
0x5b: {  	v1 =	vld [tilespmem:s24+$0x17860]  }
0x5c: {  	v0 =	vld [tilespmem:s24+$0x17870]  }
0x5d: {  	v12 =	vld [tilespmem:s24+$0x15000]  }
0x5e: {  	v13 =	vld [tilespmem:s24+$0x15010]  }
0x5f: {  	v10 =	vld [tilespmem:s24+$0x15020]  }
0x60: {  	v9 =	vld [tilespmem:s24+$0x15030]  }
0x61: {  	v8 =	vld [tilespmem:s24+$0x15040]  }
0x62: {  	v6 =	vld [tilespmem:s24+$0x15050];
	v12 =	vadd.f32 v7, v12  }
0x63: {  	s25 =	simm.s32 $0x200;
	v11 =	vadd.f32 v11, v13;
	v7 =	vld [tilespmem:s24+$0x15060]  }
.LBB2_5:
0x64: {  	s26 =	sshra.s32 s25, $0x2;
	p0 =	sne.s32 s25, $0x9E00;
	[tilespmem:s24+$0x15000] =	vst v12;
	v5 =	vadd.f32 v5, v10;
	v10 =	vld [tilespmem:s24+$0x15070]  }
0x65: {  	v12 =	vld [tilespmem:s26+$0x17800];
	[tilespmem:s24+$0x15010] =	vst v11;
	v4 =	vadd.f32 v4, v9  }
0x66: {  	v11 =	vld [tilespmem:s26+$0x17810];
	[tilespmem:s24+$0x15020] =	vst v5;
	v3 =	vadd.f32 v3, v8  }
0x67: {  	v5 =	vld [tilespmem:s26+$0x17820];
	[tilespmem:s24+$0x15030] =	vst v4;
	v2 =	vadd.f32 v2, v6  }
0x68: {  	v4 =	vld [tilespmem:s26+$0x17830];
	[tilespmem:s24+$0x15040] =	vst v3;
	v1 =	vadd.f32 v1, v7  }
0x69: {  	v3 =	vld [tilespmem:s26+$0x17840];
	[tilespmem:s24+$0x15050] =	vst v2;
	v0 =	vadd.f32 v0, v10  }
0x6a: {  	v2 =	vld [tilespmem:s26+$0x17850];
	[tilespmem:s24+$0x15060] =	vst v1  }
0x6b: {  	v1 =	vld [tilespmem:s26+$0x17860];
	[tilespmem:s24+$0x15070] =	vst v0;
	s24 =	smov.u32 s26  }
0x6c: {  	v0 =	vld [tilespmem:s24+$0x17870]  }
0x6d: {  	v6 =	vld [tilespmem:s24+$0x15000]  }
0x6e: {  	v7 =	vld [tilespmem:s24+$0x15010]  }
.Ltmp1:
0x6f: {  	v10 =	vld [tilespmem:s24+$0x15020];
	(pc) =	sbr.rel @p0 .LBB2_5-.Ltmp1, $4  }
0x70: {  	v9 =	vld [tilespmem:s24+$0x15030]  }
0x71: {  	v8 =	vld [tilespmem:s24+$0x15040]  }
0x72: {  	v12 =	vadd.f32 v12, v6;
	v6 =	vld [tilespmem:s24+$0x15050]  }
0x73: {  	s25 =	sadd.s32 $0x200, s25;
	v11 =	vadd.f32 v11, v7;
	v7 =	vld [tilespmem:s24+$0x15060]  }
0x74: {  	[tilespmem:s24+$0x15000] =	vst v12;
	v5 =	vadd.f32 v5, v10;
	v63 =	vld [tilespmem:s24+$0x15070]  }
0x75: {  	[tilespmem:s24+$0x15010] =	vst v11;
	v4 =	vadd.f32 v4, v9  }
0x76: {  	[tilespmem:s24+$0x15020] =	vst v5;
	v3 =	vadd.f32 v3, v8  }
0x77: {  	[tilespmem:s24+$0x15030] =	vst v4;
	v2 =	vadd.f32 v2, v6  }
0x78: {  	[tilespmem:s24+$0x15040] =	vst v3;
	v1 =	vadd.f32 v1, v7  }
0x79: {  	[tilespmem:s24+$0x15050] =	vst v2;
	v0 =	vadd.f32 v0, v63  }
0x7a: {  	[tilespmem:s24+$0x15060] =	vst v1  }
0x7b: {  	[tilespmem:s24+$0x15070] =	vst v0  }
0x7c: {  	p0 =	seq.s32 s22, $0x7C;
	_ =	swait.ge [sflag:s19], $0x2800  }
0x7d: {  	s26 =	simm.s32 @!p0 $0x50;
	s24 =	sshll.u32 @!p0 s22, $0x8;
	[sflag:s19] =	ssyncset.done $0x0  }
0x7e: {  	s28 =	simm.s32 @!p0 $0x10000;
	s25 =	sadd.s32 @!p0 $0x100, s24;
	[sflag:s19] =	ssyncadd.s32 $0xFFFFD800  }
0x7f: {  	[tilespmem:s28], [sflag:$0x1] =	stream.indirect.gather @!p0 [hbm4b:s4+s26], $0x80, s25, s26, $0xb8;
	[tilespmem:$0x1A000] =	vst v63  }
0x80: {  	s22 =	sadd.s32 $0x1, s22;
	s24 =	sadd.s32 @!p0 $0x8100, s24;
	s25 =	simm.s32 @!p0 $0x12800  }
0x81: {  	[tilespmem:s25], [sflag:$0x1] =	stream.indirect.gather @!p0 [hbm4b:s5+s26], $0x80, s24, s26, $0xb8;
	[tilespmem:$0x1A000] =	vst v63  }
0x82: {  	s23 =	smul.u32 $0x50, s23;
	p0 =	sne.s32 s22, $0x7D  }
.Ltmp2:
0x83: {  	_ = 	snop;
	(pc) =	sbr.rel @p0 .LBB2_2-.Ltmp2, $4  }
0x84: {  	s23 =	sadd.s32 s8, s23  }
0x85: {  	s23 =	sshll.u32 s23, $0x4  }
0x86: {  	s23 =	sadd.s32 s1, s23  }
0x87: {  	[hbm4b:s23+s3] =	stream.linear.scatter [tilespmem:s15], [sflag:$0x4], $0x2800, $0x38;
	[tilespmem:$0x1A000] =	vst v63  }
0x88: {  	s21 =	sadd.s32 $0x1, s21  }
0x89: {  	p0 =	sne.s32 s21, s9  }
.Ltmp3:
0x8a: {  	_ = 	snop;
	(pc) =	sbr.rel @p0 .LBB2_1-.Ltmp3, $4  }
0x8b: {  	_ = 	snop  }
0x8c: {  	_ =	swait.ge [sflag:s20], $0x2800  }
0x8d: {  	[sflag:s20] =	ssyncset.done $0x0  }
0x8e: {  	[sflag:s20] =	ssyncadd.s32 $0xFFFFD800  }
0x8f: {  	_ =	sfence.sel $0x180000  }
0x90: {  	[bflag:$0x0] =	sbarrier.arrive $0xFFFF  }
0x91: {  	p0 =	sne.s32 s2, $0x0;
	_ =	strace $0x9000004A  }
0x92: {  	s0 =	sadd.s32 @!p0 $0x100000, s0;
	[bflag:$0x2] =	sbarrier.arrive $0xFFFF  }
0x93: {  	[sflag:s0] =	ssyncadd.tile.s32 @!p0 $0x1;
	_ =	shalt  }
.Lfunc_end2:
_tile_overlayer_lowered:
.L_overlay_start_2:
0x94: {  	(tag) =	ssettag $0x2  }
0x95: {  	s0 =	rddreg [dreg:$0x0];
	s2 =	stileid.u32  }
0x96: {  	s1 =	rddreg [dreg:$0x1];
	p0 =	sne.s32 s2, $0x0  }
0x97: {  	s3 =	rddreg [dreg:$0x2];
	[bflag:$0x3] =	sbarrier.arrive $0xFFFF;
	s2 =	simm.s32 @!p0 $0x1C05  }
0x98: {  	[timem:s3], [sflag:s2] =	dma.local @!p0 [hbm:s0], s1  }
0x99: {  	s0 =	simm.s32 @!p0 $0x5  }
0x9a: {  	_ =	swait.ge @!p0 [sflag:s0], s1  }
0x9b: {  	s1 =	ssub.s32 @!p0 $0x0, s1;
	[sflag:s0] =	ssyncset.done @!p0 $0x0  }
0x9c: {  	[sflag:s0] =	ssyncadd.s32 @!p0 s1  }
0x9d: {  	[bflag:$0x3] =	sbarrier.arrive $0xFFFF  }
0x9e: {  	_ =	shalt  }

</sc_bundles>
